<compile_context>
chip_gen: v7x
topology: tpu7x:2x2x1
jax: 0.10.2.dev20260603
libtpu: 0.0.44.dev20260713+nightly
codegen_flags: <defaults>
</compile_context>

<pallas_src>
import functools

import jax
import jax.numpy as jnp
from jax import lax
from jax.experimental import pallas as pl
from jax.experimental.pallas import tpu as pltpu
from jax.experimental.pallas import tpu_sc as plsc

NN = 100000
NSEG = 1000
OB = 1024
NC, NS = 2, 16
NW = NC * NS
CH = 3200
NV = CH // 16
SPW = 128
INF = float("inf")
IMAX = 2147483647

_mesh = plsc.VectorSubcoreMesh(
    core_axis_name="c", subcore_axis_name="s", num_cores=NC, num_subcores=NS)


def _iota16():
    return lax.broadcasted_iota(jnp.int32, (16,), 0)


def _bc(x):
    return jnp.broadcast_to(x, (16,))


@functools.partial(
    pl.kernel,
    out_type=(
        jax.ShapeDtypeStruct((NW, OB), jnp.float32),
        jax.ShapeDtypeStruct((NW, OB), jnp.int32),
    ),
    mesh=_mesh,
    compiler_params=pltpu.CompilerParams(
        use_tc_tiling_on_sc=False, needs_layout_passes=False),
    scratch_types=[
        pltpu.VMEM((CH, 8), jnp.float32),
        pltpu.VMEM((CH,), jnp.float32),
        pltpu.VMEM((CH,), jnp.int32),
        pltpu.VMEM((OB,), jnp.float32),
        pltpu.VMEM((OB,), jnp.int32),
        pltpu.SemaphoreType.DMA,
        pltpu.SemaphoreType.DMA,
    ],
)
def _phase1(h_hbm, chi_hbm, bidx_hbm, pval_hbm, pidx_hbm,
            h16_v, chi_v, bidx_v, oval_v, oidx_v, sema, semb):
    wid = lax.axis_index("s") * NC + lax.axis_index("c")
    base = jnp.minimum(wid * CH, NN - CH)
    lanes = _iota16()
    lane0 = lanes == 0

    cpa = pltpu.async_copy(
        h_hbm.at[pl.ds(base, CH), pl.ds(0, 8)], h16_v, sema)
    cpc = pltpu.async_copy(chi_hbm.at[pl.ds(base, CH)], chi_v, semb)
    cpb = pltpu.async_copy(bidx_hbm.at[pl.ds(base, CH)], bidx_v, semb)

    inf_vec = jnp.full((16,), INF, jnp.float32)
    big_idx = jnp.full((16,), NN, jnp.int32)

    def init(i, _):
        oval_v[pl.ds(i * 16, 16)] = inf_vec
        oidx_v[pl.ds(i * 16, 16)] = big_idx
        return 0

    lax.fori_loop(0, OB // 16, init, 0)

    def flush(cs, av, an):
        m = jnp.min(av)
        mvec = _bc(m)
        nodemin = jnp.min(jnp.where(av == mvec, an, NN))
        csv = _bc(cs)
        wm = lane0 & (mvec < INF)
        plsc.store_scatter(oval_v, [csv], mvec, mask=wm)
        plsc.store_scatter(oidx_v, [csv], _bc(nodemin), mask=wm)

    def step(j, carry):
        cs, av, an = carry
        off = j * 16
        vb = bidx_v[pl.ds(off, 16)]
        vc = chi_v[pl.ds(off, 16)]
        rows = _bc(off) + lanes
        h3 = plsc.load_gather(h16_v, [rows, _bc(jnp.int32(3))])
        h4 = plsc.load_gather(h16_v, [rows, _bc(jnp.int32(4))])
        h5 = plsc.load_gather(h16_v, [rows, _bc(jnp.int32(5))])
        h6 = plsc.load_gather(h16_v, [rows, _bc(jnp.int32(6))])
        filt = (h4 > h3) & (h4 >= h5) & (h4 >= h6)
        key = jnp.where(filt, vc, INF)
        node = _bc(base + off) + lanes
        vb0 = vb[0]
        vb15 = vb[15]

        def fast(carry):
            cs, av, an = carry
            upd = key < av
            return cs, jnp.minimum(av, key), jnp.where(upd, node, an)

        def slow(carry):
            cs, av, an = carry
            csv = _bc(cs)
            mc = vb == csv
            upd = mc & (key < av)
            av = jnp.where(upd, key, av)
            an = jnp.where(upd, node, an)
            flush(cs, av, an)

            def cond(carry):
                rem, cs, av, an = carry
                return jnp.any(rem)

            def body(carry):
                rem, cs, av, an = carry
                s = jnp.min(jnp.where(rem, vb, IMAX))
                svec = _bc(s)
                segm = vb == svec
                kseg = jnp.where(segm, key, INF)
                is_last = s == vb15

                def mid(args):
                    cs, av, an = args
                    m = jnp.min(kseg)
                    mvec = _bc(m)
                    nodemin = jnp.min(
                        jnp.where(segm & (kseg == mvec), node, NN))
                    wm = lane0 & (mvec < INF)
                    plsc.store_scatter(oval_v, [svec], mvec, mask=wm)
                    plsc.store_scatter(oidx_v, [svec], _bc(nodemin), mask=wm)
                    return cs, av, an

                def last(args):
                    return s, kseg, node

                cs, av, an = lax.cond(is_last, last, mid, (cs, av, an))
                return rem & ~segm, cs, av, an

            rem0 = ~mc
            _, cs, av, an = lax.while_loop(cond, body, (rem0, cs, av, an))
            return cs, av, an

        is_fast = (vb0 == vb15) & (vb0 == cs)
        return lax.cond(is_fast, fast, slow, (cs, av, an))

    cpc.wait()
    cpb.wait()
    cs0 = bidx_v[pl.ds(0, 16)][0]
    carry = (cs0, jnp.full((16,), INF, jnp.float32),
             jnp.zeros((16,), jnp.int32))
    cpa.wait()

    def step2(jj, carry):
        return step(jj * 2 + 1, step(jj * 2, carry))

    carry = lax.fori_loop(0, NV // 2, step2, carry)
    flush(*carry)

    pltpu.sync_copy(oval_v, pval_hbm.at[wid])
    pltpu.sync_copy(oidx_v, pidx_hbm.at[wid])


@functools.partial(
    pl.kernel,
    out_type=(
        jax.ShapeDtypeStruct((OB,), jnp.float32),
        jax.ShapeDtypeStruct((OB * 3,), jnp.float32),
    ),
    mesh=_mesh,
    compiler_params=pltpu.CompilerParams(
        use_tc_tiling_on_sc=False, needs_layout_passes=False),
    scratch_types=[
        pltpu.VMEM((NW, SPW), jnp.float32),
        pltpu.VMEM((NW, SPW), jnp.int32),
        pltpu.VMEM((3, SPW), jnp.int32),
        pltpu.VMEM((3, SPW), jnp.float32),
        pltpu.VMEM((SPW * 3,), jnp.float32),
        pltpu.VMEM((SPW,), jnp.float32),
        pltpu.SemaphoreType.DMA,
    ],
)
def _phase2(pval_hbm, pidx_hbm, posf_hbm, ptr_hbm, pdir_hbm,
            pv_v, pi_v, gidx_v, pbuf_v, pdir_v, ptr_v, semg):
    wid = lax.axis_index("s") * NC + lax.axis_index("c")

    @pl.when(wid < 8)
    def _():
        t = wid
        seg0 = t * SPW
        lanes = _iota16()

        pltpu.sync_copy(pval_hbm.at[:, pl.ds(seg0, SPW)], pv_v)
        pltpu.sync_copy(pidx_hbm.at[:, pl.ds(seg0, SPW)], pi_v)

        def combine(k, _):
            sl = pl.ds(k * 16, 16)
            bv = jnp.full((16,), INF, jnp.float32)
            bi = jnp.full((16,), NN, jnp.int32)
            for w in range(NW):
                av = pv_v[w, sl]
                ai = pi_v[w, sl]
                better = (av < bv) | ((av == bv) & (ai < bi))
                bv = jnp.where(better, av, bv)
                bi = jnp.where(better, ai, bi)
            pickf = jnp.where(bv < INF, bi, 0)
            gidx_v[0, sl] = pickf
            gidx_v[1, sl] = pickf + NN
            gidx_v[2, sl] = pickf + 2 * NN
            return 0

        lax.fori_loop(0, SPW // 16, combine, 0)

        cps = [
            pltpu.async_copy(
                posf_hbm.at[gidx_v.at[c]], pbuf_v.at[c], semg)
            for c in range(3)
        ]
        for cp in cps:
            cp.wait()

        def norm_step(k, _):
            sl = pl.ds(k * 16, 16)
            x = pbuf_v[0, sl]
            y = pbuf_v[1, sl]
            z = pbuf_v[2, sl]
            s = x * x + y * y + z * z
            i = plsc.bitcast(s, jnp.int32)
            i = jnp.int32(0x1FBD1DF5) + (i >> 1)
            r = plsc.bitcast(i, jnp.float32)
            r = 0.5 * (r + s / r)
            r = 0.5 * (r + s / r)
            r = 0.5 * (r + s / r)
            r = jnp.where(s > 0.0, r, 0.0)
            ptr_v[sl] = r
            kv = (_bc(k * 16) + lanes) * 3
            plsc.store_scatter(pdir_v, [kv], x)
            plsc.store_scatter(pdir_v, [kv + 1], y)
            plsc.store_scatter(pdir_v, [kv + 2], z)
            return 0

        lax.fori_loop(0, SPW // 16, norm_step, 0)

        pltpu.sync_copy(ptr_v, ptr_hbm.at[pl.ds(seg0, SPW)])
        pltpu.sync_copy(pdir_v, pdir_hbm.at[pl.ds(seg0 * 3, SPW * 3)])


def kernel(x_global_features, h, pos_pxpypz_at_vertex, chi_squared_tracks, batch_idx):
    del x_global_features
    posf = jnp.ravel(pos_pxpypz_at_vertex.T)
    pval, pidx = _phase1(h, chi_squared_tracks, batch_idx.astype(jnp.int32))
    p_tracks, pdir_flat = _phase2(pval, pidx, posf)
    return p_tracks[:NSEG], jnp.reshape(pdir_flat[:NSEG * 3], (NSEG, 3))

# --- scband reference (transcript-rebuilt; emitter-appended) ---
"""Pipeline reference for scband-pick-pat-dca-12601434046589 (READ-ONLY COPY).

The authoritative reference and input builder live on the scoring server;
editing this copy changes nothing except your own understanding.
"""

import jax, jax.numpy as jnp
import numpy as np

N = 100000
B = 1000
D = 128


def setup_inputs(seed: int = 0):
    key = jax.random.key(seed)
    k1, k2, k3, k4, k5 = jax.random.split(key, 5)
    h = jax.random.normal(k1, (N, D), dtype=jnp.float32)
    pos = jax.random.normal(k2, (N, 3), dtype=jnp.float32)
    chi = jax.random.uniform(k3, (N,), dtype=jnp.float32) * 10.0
    # every graph gets at least one node, then sorted segment ids
    batch_idx = jnp.sort(jnp.concatenate([jnp.arange(B), jax.random.randint(k4, (N - B,), 0, B)]))
    # guarantee each graph has at least one node with ht == 1 (argmax of h[:,3:7] == index 1 -> column 4)
    firsts = jnp.searchsorted(batch_idx, jnp.arange(B))
    h = h.at[firsts, 4].set(50.0)
    x_global = jax.random.normal(k5, (B, 16), dtype=jnp.float32)
    return {
        "x_global_features": x_global,
        "h": h,
        "pos_pxpypz_at_vertex": pos,
        "chi_squared_tracks": chi,
        "batch_idx": batch_idx,
    }


def reference(x_global_features, h, pos_pxpypz_at_vertex, chi_squared_tracks, batch_idx):
    n = h.shape[0]
    num_seg = B
    # ht = argmax over one-hot-ish slice, filter nodes of type 1 (tracks)
    ht = jnp.argmax(h[:, 3:7], axis=1)
    filt = ht == 1
    # per-graph argmin of chi^2 among filtered nodes (vectorized pick_lowest_chi_squared)
    masked_chi = jnp.where(filt, chi_squared_tracks, jnp.inf)
    seg_min = jax.ops.segment_min(masked_chi, batch_idx, num_segments=num_seg)
    cand = filt & (masked_chi == seg_min[batch_idx])
    cand_idx = jnp.where(cand, jnp.arange(n), n)
    pick = jax.ops.segment_min(cand_idx, batch_idx, num_segments=num_seg)
    # graphs with no filtered node are skipped (matches torch.unique over batch_idx[filt])
    valid = pick < n
    pick_valid = jnp.where(valid, pick, 0)
    p_direction = pos_pxpypz_at_vertex[pick_valid]
    p_tracks = jnp.linalg.norm(p_direction, axis=1)
    return (p_tracks, p_direction)

if __name__ == "__main__":
    import jax
    _d = setup_inputs()
    print(jax.jit(kernel)(*tuple(_d.values())))

</pallas_src>

<mosaic_0001>
#map = affine_map<(d0, d1) -> (0, 0)>
#map1 = affine_map<(d0, d1) -> (0)>
module attributes {stable_mosaic.version = 14 : i64} {
  func.func @_phase2(%arg0: i32, %arg1: i32, %arg2: memref<32x1024xf32, #tpu.memory_space<hbm>>, %arg3: memref<32x1024xi32, #tpu.memory_space<hbm>>, %arg4: memref<300000xf32, #tpu.memory_space<hbm>>, %arg5: memref<1024xf32, #tpu.memory_space<hbm>>, %arg6: memref<3072xf32, #tpu.memory_space<hbm>>, %arg7: memref<32x128xf32, #tpu.memory_space<vmem>>, %arg8: memref<32x128xi32, #tpu.memory_space<vmem>>, %arg9: memref<3x128xi32, #tpu.memory_space<vmem>>, %arg10: memref<3x128xf32, #tpu.memory_space<vmem>>, %arg11: memref<384xf32, #tpu.memory_space<vmem>>, %arg12: memref<128xf32, #tpu.memory_space<vmem>>, %arg13: memref<!tpu.dma_semaphore, #tpu.memory_space<semaphore_mem>>) attributes {dimension_semantics = [#tpu.dimension_semantics<core_parallel>, #tpu.dimension_semantics<subcore_parallel>], iteration_bounds = array<i64: 2, 16>, scalar_prefetch = 0 : i64, scratch_operands = 7 : i64, tpu.core_type = #tpu.core_type<sc_vector_subcore>, window_params = [{transform_indices = #map}, {transform_indices = #map}, {transform_indices = #map1}, {transform_indices = #map1}, {transform_indices = #map1}]} {
    %mul3A = arith.constant 2 : i32
    %mul3A_0 = arith.muli %arg1, %mul3A : i32
    %add3A = arith.addi %mul3A_0, %arg0 : i32
    %lt3A = arith.constant 8 : i32
    %lt3A_1 = arith.cmpi slt, %add3A, %lt3A : i32
    %convert_element_type3A = arith.extui %lt3A_1 : i1 to i32
    %cond3A = arith.constant 0 : i32
    %cond3A_2 = arith.cmpi ne, %convert_element_type3A, %cond3A : i32
    scf.if %cond3A_2 {
      %mul3A_3 = arith.constant 128 : i32
      %mul3A_4 = arith.muli %add3A, %mul3A_3 : i32
      %iota3A = tpu.iota {dimensions = array<i32: 0>} : vector<16xi32>
      "tpu.region"() ({
        %run_scoped3A = tpu.sem_alloc : memref<!tpu.dma_semaphore, #tpu.memory_space<semaphore_mem>>
        %dma_start3A_78 = arith.constant 0 : i32
        %dma_start3A_79 = tpu.memref_slice %arg2[%dma_start3A_78, %mul3A_4] : memref<32x1024xf32, #tpu.memory_space<hbm>> -> memref<32x128xf32, #tpu.memory_space<hbm>>
        %dma_start3A_80 = arith.constant 0 : i32
        %dma_start3A_81 = tpu.memref_slice %arg2[%dma_start3A_80, %mul3A_4] : memref<32x1024xf32, #tpu.memory_space<hbm>> -> memref<32x128xf32, #tpu.memory_space<hbm>>
        tpu.enqueue_dma source(%dma_start3A_81 : memref<32x128xf32, #tpu.memory_space<hbm>>) target(%arg7 : memref<32x128xf32, #tpu.memory_space<vmem>>) target_semaphore(%run_scoped3A : memref<!tpu.dma_semaphore, #tpu.memory_space<semaphore_mem>>)
        %dma_wait3A_82 = arith.constant 0 : i32
        %dma_wait3A_83 = tpu.memref_slice %arg2[%dma_wait3A_82, %mul3A_4] : memref<32x1024xf32, #tpu.memory_space<hbm>> -> memref<32x128xf32, #tpu.memory_space<hbm>>
        %dma_wait3A_84 = arith.constant 0 : i32
        %dma_wait3A_85 = tpu.memref_slice %arg2[%dma_wait3A_84, %mul3A_4] : memref<32x1024xf32, #tpu.memory_space<hbm>> -> memref<32x128xf32, #tpu.memory_space<hbm>>
        tpu.wait_dma2 semaphore(%run_scoped3A : memref<!tpu.dma_semaphore, #tpu.memory_space<semaphore_mem>>) src(%dma_wait3A_85 : memref<32x128xf32, #tpu.memory_space<hbm>>) dst(%arg7 : memref<32x128xf32, #tpu.memory_space<vmem>>)
        tpu.yield
      }) : () -> ()
      "tpu.region"() ({
        %run_scoped3A = tpu.sem_alloc : memref<!tpu.dma_semaphore, #tpu.memory_space<semaphore_mem>>
        %dma_start3A_78 = arith.constant 0 : i32
        %dma_start3A_79 = tpu.memref_slice %arg3[%dma_start3A_78, %mul3A_4] : memref<32x1024xi32, #tpu.memory_space<hbm>> -> memref<32x128xi32, #tpu.memory_space<hbm>>
        %dma_start3A_80 = arith.constant 0 : i32
        %dma_start3A_81 = tpu.memref_slice %arg3[%dma_start3A_80, %mul3A_4] : memref<32x1024xi32, #tpu.memory_space<hbm>> -> memref<32x128xi32, #tpu.memory_space<hbm>>
        tpu.enqueue_dma source(%dma_start3A_81 : memref<32x128xi32, #tpu.memory_space<hbm>>) target(%arg8 : memref<32x128xi32, #tpu.memory_space<vmem>>) target_semaphore(%run_scoped3A : memref<!tpu.dma_semaphore, #tpu.memory_space<semaphore_mem>>)
        %dma_wait3A_82 = arith.constant 0 : i32
        %dma_wait3A_83 = tpu.memref_slice %arg3[%dma_wait3A_82, %mul3A_4] : memref<32x1024xi32, #tpu.memory_space<hbm>> -> memref<32x128xi32, #tpu.memory_space<hbm>>
        %dma_wait3A_84 = arith.constant 0 : i32
        %dma_wait3A_85 = tpu.memref_slice %arg3[%dma_wait3A_84, %mul3A_4] : memref<32x1024xi32, #tpu.memory_space<hbm>> -> memref<32x128xi32, #tpu.memory_space<hbm>>
        tpu.wait_dma2 semaphore(%run_scoped3A : memref<!tpu.dma_semaphore, #tpu.memory_space<semaphore_mem>>) src(%dma_wait3A_85 : memref<32x128xi32, #tpu.memory_space<hbm>>) dst(%arg8 : memref<32x128xi32, #tpu.memory_space<vmem>>)
        tpu.yield
      }) : () -> ()
      %scan3A = arith.constant 0 : i32
      %scan3A_5 = arith.constant 0 : i32
      %scan3A_6 = arith.constant 8 : i32
      %scan3A_7 = arith.addi %scan3A_5, %scan3A_6 : i32
      %scan3A_8 = arith.constant 1 : i32
      %scan3A_9 = scf.for %scan3A_78 = %scan3A_5 to %scan3A_7 step %scan3A_8 iter_args(%scan3A_79 = %scan3A) -> (i32)  : i32 {
        %mul3A_80 = arith.constant 16 : i32
        %mul3A_81 = arith.muli %scan3A_78, %mul3A_80 : i32
        %broadcast_in_dim3A = arith.constant 0x7F800000 : f32
        %broadcast_in_dim3A_82 = vector.broadcast %broadcast_in_dim3A : f32 to vector<16xf32>
        %broadcast_in_dim3A_83 = arith.constant 100000 : i32
        %broadcast_in_dim3A_84 = vector.broadcast %broadcast_in_dim3A_83 : i32 to vector<16xi32>
        %get3A = arith.constant 0 : i32
        %get3A_85 = arith.index_cast %get3A : i32 to index
        %get3A_86 = arith.index_cast %mul3A_81 : i32 to index
        %get3A_87 = tpu.vector_load %arg7[%get3A_85, %get3A_86] {strides = array<i32>} : memref<32x128xf32, #tpu.memory_space<vmem>>, vector<16xf32>,
        %get3A_88 = arith.constant 0 : i32
        %get3A_89 = arith.index_cast %get3A_88 : i32 to index
        %get3A_90 = arith.index_cast %mul3A_81 : i32 to index
        %get3A_91 = tpu.vector_load %arg8[%get3A_89, %get3A_90] {strides = array<i32>} : memref<32x128xi32, #tpu.memory_space<vmem>>, vector<16xi32>,
        %lt3A_92 = arith.cmpf olt, %get3A_87, %broadcast_in_dim3A_82 : vector<16xf32>
        %eq3A = arith.cmpf oeq, %get3A_87, %broadcast_in_dim3A_82 : vector<16xf32>
        %lt3A_93 = arith.cmpi slt, %get3A_91, %broadcast_in_dim3A_84 : vector<16xi32>
        %and3A = arith.andi %eq3A, %lt3A_93 : vector<16xi1>
        %or3A = arith.ori %lt3A_92, %and3A : vector<16xi1>
        %select_n3A = arith.select %or3A, %get3A_87, %broadcast_in_dim3A_82 : vector<16xi1>, vector<16xf32>
        %select_n3A_94 = arith.select %or3A, %get3A_91, %broadcast_in_dim3A_84 : vector<16xi1>, vector<16xi32>
        %get3A_95 = arith.constant 1 : i32
        %get3A_96 = arith.index_cast %get3A_95 : i32 to index
        %get3A_97 = arith.index_cast %mul3A_81 : i32 to index
        %get3A_98 = tpu.vector_load %arg7[%get3A_96, %get3A_97] {strides = array<i32>} : memref<32x128xf32, #tpu.memory_space<vmem>>, vector<16xf32>,
        %get3A_99 = arith.constant 1 : i32
        %get3A_100 = arith.index_cast %get3A_99 : i32 to index
        %get3A_101 = arith.index_cast %mul3A_81 : i32 to index
        %get3A_102 = tpu.vector_load %arg8[%get3A_100, %get3A_101] {strides = array<i32>} : memref<32x128xi32, #tpu.memory_space<vmem>>, vector<16xi32>,
        %lt3A_103 = arith.cmpf olt, %get3A_98, %select_n3A : vector<16xf32>
        %eq3A_104 = arith.cmpf oeq, %get3A_98, %select_n3A : vector<16xf32>
        %lt3A_105 = arith.cmpi slt, %get3A_102, %select_n3A_94 : vector<16xi32>
        %and3A_106 = arith.andi %eq3A_104, %lt3A_105 : vector<16xi1>
        %or3A_107 = arith.ori %lt3A_103, %and3A_106 : vector<16xi1>
        %select_n3A_108 = arith.select %or3A_107, %get3A_98, %select_n3A : vector<16xi1>, vector<16xf32>
        %select_n3A_109 = arith.select %or3A_107, %get3A_102, %select_n3A_94 : vector<16xi1>, vector<16xi32>
        %get3A_110 = arith.constant 2 : i32
        %get3A_111 = arith.index_cast %get3A_110 : i32 to index
        %get3A_112 = arith.index_cast %mul3A_81 : i32 to index
        %get3A_113 = tpu.vector_load %arg7[%get3A_111, %get3A_112] {strides = array<i32>} : memref<32x128xf32, #tpu.memory_space<vmem>>, vector<16xf32>,
        %get3A_114 = arith.constant 2 : i32
        %get3A_115 = arith.index_cast %get3A_114 : i32 to index
        %get3A_116 = arith.index_cast %mul3A_81 : i32 to index
        %get3A_117 = tpu.vector_load %arg8[%get3A_115, %get3A_116] {strides = array<i32>} : memref<32x128xi32, #tpu.memory_space<vmem>>, vector<16xi32>,
        %lt3A_118 = arith.cmpf olt, %get3A_113, %select_n3A_108 : vector<16xf32>
        %eq3A_119 = arith.cmpf oeq, %get3A_113, %select_n3A_108 : vector<16xf32>
        %lt3A_120 = arith.cmpi slt, %get3A_117, %select_n3A_109 : vector<16xi32>
        %and3A_121 = arith.andi %eq3A_119, %lt3A_120 : vector<16xi1>
        %or3A_122 = arith.ori %lt3A_118, %and3A_121 : vector<16xi1>
        %select_n3A_123 = arith.select %or3A_122, %get3A_113, %select_n3A_108 : vector<16xi1>, vector<16xf32>
        %select_n3A_124 = arith.select %or3A_122, %get3A_117, %select_n3A_109 : vector<16xi1>, vector<16xi32>
        %get3A_125 = arith.constant 3 : i32
        %get3A_126 = arith.index_cast %get3A_125 : i32 to index
        %get3A_127 = arith.index_cast %mul3A_81 : i32 to index
        %get3A_128 = tpu.vector_load %arg7[%get3A_126, %get3A_127] {strides = array<i32>} : memref<32x128xf32, #tpu.memory_space<vmem>>, vector<16xf32>,
        %get3A_129 = arith.constant 3 : i32
        %get3A_130 = arith.index_cast %get3A_129 : i32 to index
        %get3A_131 = arith.index_cast %mul3A_81 : i32 to index
        %get3A_132 = tpu.vector_load %arg8[%get3A_130, %get3A_131] {strides = array<i32>} : memref<32x128xi32, #tpu.memory_space<vmem>>, vector<16xi32>,
        %lt3A_133 = arith.cmpf olt, %get3A_128, %select_n3A_123 : vector<16xf32>
        %eq3A_134 = arith.cmpf oeq, %get3A_128, %select_n3A_123 : vector<16xf32>
        %lt3A_135 = arith.cmpi slt, %get3A_132, %select_n3A_124 : vector<16xi32>
        %and3A_136 = arith.andi %eq3A_134, %lt3A_135 : vector<16xi1>
        %or3A_137 = arith.ori %lt3A_133, %and3A_136 : vector<16xi1>
        %select_n3A_138 = arith.select %or3A_137, %get3A_128, %select_n3A_123 : vector<16xi1>, vector<16xf32>
        %select_n3A_139 = arith.select %or3A_137, %get3A_132, %select_n3A_124 : vector<16xi1>, vector<16xi32>
        %get3A_140 = arith.constant 4 : i32
        %get3A_141 = arith.index_cast %get3A_140 : i32 to index
        %get3A_142 = arith.index_cast %mul3A_81 : i32 to index
        %get3A_143 = tpu.vector_load %arg7[%get3A_141, %get3A_142] {strides = array<i32>} : memref<32x128xf32, #tpu.memory_space<vmem>>, vector<16xf32>,
        %get3A_144 = arith.constant 4 : i32
        %get3A_145 = arith.index_cast %get3A_144 : i32 to index
        %get3A_146 = arith.index_cast %mul3A_81 : i32 to index
        %get3A_147 = tpu.vector_load %arg8[%get3A_145, %get3A_146] {strides = array<i32>} : memref<32x128xi32, #tpu.memory_space<vmem>>, vector<16xi32>,
        %lt3A_148 = arith.cmpf olt, %get3A_143, %select_n3A_138 : vector<16xf32>
        %eq3A_149 = arith.cmpf oeq, %get3A_143, %select_n3A_138 : vector<16xf32>
        %lt3A_150 = arith.cmpi slt, %get3A_147, %select_n3A_139 : vector<16xi32>
        %and3A_151 = arith.andi %eq3A_149, %lt3A_150 : vector<16xi1>
        %or3A_152 = arith.ori %lt3A_148, %and3A_151 : vector<16xi1>
        %select_n3A_153 = arith.select %or3A_152, %get3A_143, %select_n3A_138 : vector<16xi1>, vector<16xf32>
        %select_n3A_154 = arith.select %or3A_152, %get3A_147, %select_n3A_139 : vector<16xi1>, vector<16xi32>
        %get3A_155 = arith.constant 5 : i32
        %get3A_156 = arith.index_cast %get3A_155 : i32 to index
        %get3A_157 = arith.index_cast %mul3A_81 : i32 to index
        %get3A_158 = tpu.vector_load %arg7[%get3A_156, %get3A_157] {strides = array<i32>} : memref<32x128xf32, #tpu.memory_space<vmem>>, vector<16xf32>,
        %get3A_159 = arith.constant 5 : i32
        %get3A_160 = arith.index_cast %get3A_159 : i32 to index
        %get3A_161 = arith.index_cast %mul3A_81 : i32 to index
        %get3A_162 = tpu.vector_load %arg8[%get3A_160, %get3A_161] {strides = array<i32>} : memref<32x128xi32, #tpu.memory_space<vmem>>, vector<16xi32>,
        %lt3A_163 = arith.cmpf olt, %get3A_158, %select_n3A_153 : vector<16xf32>
        %eq3A_164 = arith.cmpf oeq, %get3A_158, %select_n3A_153 : vector<16xf32>
        %lt3A_165 = arith.cmpi slt, %get3A_162, %select_n3A_154 : vector<16xi32>
        %and3A_166 = arith.andi %eq3A_164, %lt3A_165 : vector<16xi1>
        %or3A_167 = arith.ori %lt3A_163, %and3A_166 : vector<16xi1>
        %select_n3A_168 = arith.select %or3A_167, %get3A_158, %select_n3A_153 : vector<16xi1>, vector<16xf32>
        %select_n3A_169 = arith.select %or3A_167, %get3A_162, %select_n3A_154 : vector<16xi1>, vector<16xi32>
        %get3A_170 = arith.constant 6 : i32
        %get3A_171 = arith.index_cast %get3A_170 : i32 to index
        %get3A_172 = arith.index_cast %mul3A_81 : i32 to index
        %get3A_173 = tpu.vector_load %arg7[%get3A_171, %get3A_172] {strides = array<i32>} : memref<32x128xf32, #tpu.memory_space<vmem>>, vector<16xf32>,
        %get3A_174 = arith.constant 6 : i32
        %get3A_175 = arith.index_cast %get3A_174 : i32 to index
        %get3A_176 = arith.index_cast %mul3A_81 : i32 to index
        %get3A_177 = tpu.vector_load %arg8[%get3A_175, %get3A_176] {strides = array<i32>} : memref<32x128xi32, #tpu.memory_space<vmem>>, vector<16xi32>,
        %lt3A_178 = arith.cmpf olt, %get3A_173, %select_n3A_168 : vector<16xf32>
        %eq3A_179 = arith.cmpf oeq, %get3A_173, %select_n3A_168 : vector<16xf32>
        %lt3A_180 = arith.cmpi slt, %get3A_177, %select_n3A_169 : vector<16xi32>
        %and3A_181 = arith.andi %eq3A_179, %lt3A_180 : vector<16xi1>
        %or3A_182 = arith.ori %lt3A_178, %and3A_181 : vector<16xi1>
        %select_n3A_183 = arith.select %or3A_182, %get3A_173, %select_n3A_168 : vector<16xi1>, vector<16xf32>
        %select_n3A_184 = arith.select %or3A_182, %get3A_177, %select_n3A_169 : vector<16xi1>, vector<16xi32>
        %get3A_185 = arith.constant 7 : i32
        %get3A_186 = arith.index_cast %get3A_185 : i32 to index
        %get3A_187 = arith.index_cast %mul3A_81 : i32 to index
        %get3A_188 = tpu.vector_load %arg7[%get3A_186, %get3A_187] {strides = array<i32>} : memref<32x128xf32, #tpu.memory_space<vmem>>, vector<16xf32>,
        %get3A_189 = arith.constant 7 : i32
        %get3A_190 = arith.index_cast %get3A_189 : i32 to index
        %get3A_191 = arith.index_cast %mul3A_81 : i32 to index
        %get3A_192 = tpu.vector_load %arg8[%get3A_190, %get3A_191] {strides = array<i32>} : memref<32x128xi32, #tpu.memory_space<vmem>>, vector<16xi32>,
        %lt3A_193 = arith.cmpf olt, %get3A_188, %select_n3A_183 : vector<16xf32>
        %eq3A_194 = arith.cmpf oeq, %get3A_188, %select_n3A_183 : vector<16xf32>
        %lt3A_195 = arith.cmpi slt, %get3A_192, %select_n3A_184 : vector<16xi32>
        %and3A_196 = arith.andi %eq3A_194, %lt3A_195 : vector<16xi1>
        %or3A_197 = arith.ori %lt3A_193, %and3A_196 : vector<16xi1>
        %select_n3A_198 = arith.select %or3A_197, %get3A_188, %select_n3A_183 : vector<16xi1>, vector<16xf32>
        %select_n3A_199 = arith.select %or3A_197, %get3A_192, %select_n3A_184 : vector<16xi1>, vector<16xi32>
        %get3A_200 = arith.constant 8 : i32
        %get3A_201 = arith.index_cast %get3A_200 : i32 to index
        %get3A_202 = arith.index_cast %mul3A_81 : i32 to index
        %get3A_203 = tpu.vector_load %arg7[%get3A_201, %get3A_202] {strides = array<i32>} : memref<32x128xf32, #tpu.memory_space<vmem>>, vector<16xf32>,
        %get3A_204 = arith.constant 8 : i32
        %get3A_205 = arith.index_cast %get3A_204 : i32 to index
        %get3A_206 = arith.index_cast %mul3A_81 : i32 to index
        %get3A_207 = tpu.vector_load %arg8[%get3A_205, %get3A_206] {strides = array<i32>} : memref<32x128xi32, #tpu.memory_space<vmem>>, vector<16xi32>,
        %lt3A_208 = arith.cmpf olt, %get3A_203, %select_n3A_198 : vector<16xf32>
        %eq3A_209 = arith.cmpf oeq, %get3A_203, %select_n3A_198 : vector<16xf32>
        %lt3A_210 = arith.cmpi slt, %get3A_207, %select_n3A_199 : vector<16xi32>
        %and3A_211 = arith.andi %eq3A_209, %lt3A_210 : vector<16xi1>
        %or3A_212 = arith.ori %lt3A_208, %and3A_211 : vector<16xi1>
        %select_n3A_213 = arith.select %or3A_212, %get3A_203, %select_n3A_198 : vector<16xi1>, vector<16xf32>
        %select_n3A_214 = arith.select %or3A_212, %get3A_207, %select_n3A_199 : vector<16xi1>, vector<16xi32>
        %get3A_215 = arith.constant 9 : i32
        %get3A_216 = arith.index_cast %get3A_215 : i32 to index
        %get3A_217 = arith.index_cast %mul3A_81 : i32 to index
        %get3A_218 = tpu.vector_load %arg7[%get3A_216, %get3A_217] {strides = array<i32>} : memref<32x128xf32, #tpu.memory_space<vmem>>, vector<16xf32>,
        %get3A_219 = arith.constant 9 : i32
        %get3A_220 = arith.index_cast %get3A_219 : i32 to index
        %get3A_221 = arith.index_cast %mul3A_81 : i32 to index
        %get3A_222 = tpu.vector_load %arg8[%get3A_220, %get3A_221] {strides = array<i32>} : memref<32x128xi32, #tpu.memory_space<vmem>>, vector<16xi32>,
        %lt3A_223 = arith.cmpf olt, %get3A_218, %select_n3A_213 : vector<16xf32>
        %eq3A_224 = arith.cmpf oeq, %get3A_218, %select_n3A_213 : vector<16xf32>
        %lt3A_225 = arith.cmpi slt, %get3A_222, %select_n3A_214 : vector<16xi32>
        %and3A_226 = arith.andi %eq3A_224, %lt3A_225 : vector<16xi1>
        %or3A_227 = arith.ori %lt3A_223, %and3A_226 : vector<16xi1>
        %select_n3A_228 = arith.select %or3A_227, %get3A_218, %select_n3A_213 : vector<16xi1>, vector<16xf32>
        %select_n3A_229 = arith.select %or3A_227, %get3A_222, %select_n3A_214 : vector<16xi1>, vector<16xi32>
        %get3A_230 = arith.constant 10 : i32
        %get3A_231 = arith.index_cast %get3A_230 : i32 to index
        %get3A_232 = arith.index_cast %mul3A_81 : i32 to index
        %get3A_233 = tpu.vector_load %arg7[%get3A_231, %get3A_232] {strides = array<i32>} : memref<32x128xf32, #tpu.memory_space<vmem>>, vector<16xf32>,
        %get3A_234 = arith.constant 10 : i32
        %get3A_235 = arith.index_cast %get3A_234 : i32 to index
        %get3A_236 = arith.index_cast %mul3A_81 : i32 to index
        %get3A_237 = tpu.vector_load %arg8[%get3A_235, %get3A_236] {strides = array<i32>} : memref<32x128xi32, #tpu.memory_space<vmem>>, vector<16xi32>,
        %lt3A_238 = arith.cmpf olt, %get3A_233, %select_n3A_228 : vector<16xf32>
        %eq3A_239 = arith.cmpf oeq, %get3A_233, %select_n3A_228 : vector<16xf32>
        %lt3A_240 = arith.cmpi slt, %get3A_237, %select_n3A_229 : vector<16xi32>
        %and3A_241 = arith.andi %eq3A_239, %lt3A_240 : vector<16xi1>
        %or3A_242 = arith.ori %lt3A_238, %and3A_241 : vector<16xi1>
        %select_n3A_243 = arith.select %or3A_242, %get3A_233, %select_n3A_228 : vector<16xi1>, vector<16xf32>
        %select_n3A_244 = arith.select %or3A_242, %get3A_237, %select_n3A_229 : vector<16xi1>, vector<16xi32>
        %get3A_245 = arith.constant 11 : i32
        %get3A_246 = arith.index_cast %get3A_245 : i32 to index
        %get3A_247 = arith.index_cast %mul3A_81 : i32 to index
        %get3A_248 = tpu.vector_load %arg7[%get3A_246, %get3A_247] {strides = array<i32>} : memref<32x128xf32, #tpu.memory_space<vmem>>, vector<16xf32>,
        %get3A_249 = arith.constant 11 : i32
        %get3A_250 = arith.index_cast %get3A_249 : i32 to index
        %get3A_251 = arith.index_cast %mul3A_81 : i32 to index
        %get3A_252 = tpu.vector_load %arg8[%get3A_250, %get3A_251] {strides = array<i32>} : memref<32x128xi32, #tpu.memory_space<vmem>>, vector<16xi32>,
        %lt3A_253 = arith.cmpf olt, %get3A_248, %select_n3A_243 : vector<16xf32>
        %eq3A_254 = arith.cmpf oeq, %get3A_248, %select_n3A_243 : vector<16xf32>
        %lt3A_255 = arith.cmpi slt, %get3A_252, %select_n3A_244 : vector<16xi32>
        %and3A_256 = arith.andi %eq3A_254, %lt3A_255 : vector<16xi1>
        %or3A_257 = arith.ori %lt3A_253, %and3A_256 : vector<16xi1>
        %select_n3A_258 = arith.select %or3A_257, %get3A_248, %select_n3A_243 : vector<16xi1>, vector<16xf32>
        %select_n3A_259 = arith.select %or3A_257, %get3A_252, %select_n3A_244 : vector<16xi1>, vector<16xi32>
        %get3A_260 = arith.constant 12 : i32
        %get3A_261 = arith.index_cast %get3A_260 : i32 to index
        %get3A_262 = arith.index_cast %mul3A_81 : i32 to index
        %get3A_263 = tpu.vector_load %arg7[%get3A_261, %get3A_262] {strides = array<i32>} : memref<32x128xf32, #tpu.memory_space<vmem>>, vector<16xf32>,
        %get3A_264 = arith.constant 12 : i32
        %get3A_265 = arith.index_cast %get3A_264 : i32 to index
        %get3A_266 = arith.index_cast %mul3A_81 : i32 to index
        %get3A_267 = tpu.vector_load %arg8[%get3A_265, %get3A_266] {strides = array<i32>} : memref<32x128xi32, #tpu.memory_space<vmem>>, vector<16xi32>,
        %lt3A_268 = arith.cmpf olt, %get3A_263, %select_n3A_258 : vector<16xf32>
        %eq3A_269 = arith.cmpf oeq, %get3A_263, %select_n3A_258 : vector<16xf32>
        %lt3A_270 = arith.cmpi slt, %get3A_267, %select_n3A_259 : vector<16xi32>
        %and3A_271 = arith.andi %eq3A_269, %lt3A_270 : vector<16xi1>
        %or3A_272 = arith.ori %lt3A_268, %and3A_271 : vector<16xi1>
        %select_n3A_273 = arith.select %or3A_272, %get3A_263, %select_n3A_258 : vector<16xi1>, vector<16xf32>
        %select_n3A_274 = arith.select %or3A_272, %get3A_267, %select_n3A_259 : vector<16xi1>, vector<16xi32>
        %get3A_275 = arith.constant 13 : i32
        %get3A_276 = arith.index_cast %get3A_275 : i32 to index
        %get3A_277 = arith.index_cast %mul3A_81 : i32 to index
        %get3A_278 = tpu.vector_load %arg7[%get3A_276, %get3A_277] {strides = array<i32>} : memref<32x128xf32, #tpu.memory_space<vmem>>, vector<16xf32>,
        %get3A_279 = arith.constant 13 : i32
        %get3A_280 = arith.index_cast %get3A_279 : i32 to index
        %get3A_281 = arith.index_cast %mul3A_81 : i32 to index
        %get3A_282 = tpu.vector_load %arg8[%get3A_280, %get3A_281] {strides = array<i32>} : memref<32x128xi32, #tpu.memory_space<vmem>>, vector<16xi32>,
        %lt3A_283 = arith.cmpf olt, %get3A_278, %select_n3A_273 : vector<16xf32>
        %eq3A_284 = arith.cmpf oeq, %get3A_278, %select_n3A_273 : vector<16xf32>
        %lt3A_285 = arith.cmpi slt, %get3A_282, %select_n3A_274 : vector<16xi32>
        %and3A_286 = arith.andi %eq3A_284, %lt3A_285 : vector<16xi1>
        %or3A_287 = arith.ori %lt3A_283, %and3A_286 : vector<16xi1>
        %select_n3A_288 = arith.select %or3A_287, %get3A_278, %select_n3A_273 : vector<16xi1>, vector<16xf32>
        %select_n3A_289 = arith.select %or3A_287, %get3A_282, %select_n3A_274 : vector<16xi1>, vector<16xi32>
        %get3A_290 = arith.constant 14 : i32
        %get3A_291 = arith.index_cast %get3A_290 : i32 to index
        %get3A_292 = arith.index_cast %mul3A_81 : i32 to index
        %get3A_293 = tpu.vector_load %arg7[%get3A_291, %get3A_292] {strides = array<i32>} : memref<32x128xf32, #tpu.memory_space<vmem>>, vector<16xf32>,
        %get3A_294 = arith.constant 14 : i32
        %get3A_295 = arith.index_cast %get3A_294 : i32 to index
        %get3A_296 = arith.index_cast %mul3A_81 : i32 to index
        %get3A_297 = tpu.vector_load %arg8[%get3A_295, %get3A_296] {strides = array<i32>} : memref<32x128xi32, #tpu.memory_space<vmem>>, vector<16xi32>,
        %lt3A_298 = arith.cmpf olt, %get3A_293, %select_n3A_288 : vector<16xf32>
        %eq3A_299 = arith.cmpf oeq, %get3A_293, %select_n3A_288 : vector<16xf32>
        %lt3A_300 = arith.cmpi slt, %get3A_297, %select_n3A_289 : vector<16xi32>
        %and3A_301 = arith.andi %eq3A_299, %lt3A_300 : vector<16xi1>
        %or3A_302 = arith.ori %lt3A_298, %and3A_301 : vector<16xi1>
        %select_n3A_303 = arith.select %or3A_302, %get3A_293, %select_n3A_288 : vector<16xi1>, vector<16xf32>
        %select_n3A_304 = arith.select %or3A_302, %get3A_297, %select_n3A_289 : vector<16xi1>, vector<16xi32>
        %get3A_305 = arith.constant 15 : i32
        %get3A_306 = arith.index_cast %get3A_305 : i32 to index
        %get3A_307 = arith.index_cast %mul3A_81 : i32 to index
        %get3A_308 = tpu.vector_load %arg7[%get3A_306, %get3A_307] {strides = array<i32>} : memref<32x128xf32, #tpu.memory_space<vmem>>, vector<16xf32>,
        %get3A_309 = arith.constant 15 : i32
        %get3A_310 = arith.index_cast %get3A_309 : i32 to index
        %get3A_311 = arith.index_cast %mul3A_81 : i32 to index
        %get3A_312 = tpu.vector_load %arg8[%get3A_310, %get3A_311] {strides = array<i32>} : memref<32x128xi32, #tpu.memory_space<vmem>>, vector<16xi32>,
        %lt3A_313 = arith.cmpf olt, %get3A_308, %select_n3A_303 : vector<16xf32>
        %eq3A_314 = arith.cmpf oeq, %get3A_308, %select_n3A_303 : vector<16xf32>
        %lt3A_315 = arith.cmpi slt, %get3A_312, %select_n3A_304 : vector<16xi32>
        %and3A_316 = arith.andi %eq3A_314, %lt3A_315 : vector<16xi1>
        %or3A_317 = arith.ori %lt3A_313, %and3A_316 : vector<16xi1>
        %select_n3A_318 = arith.select %or3A_317, %get3A_308, %select_n3A_303 : vector<16xi1>, vector<16xf32>
        %select_n3A_319 = arith.select %or3A_317, %get3A_312, %select_n3A_304 : vector<16xi1>, vector<16xi32>
        %get3A_320 = arith.constant 16 : i32
        %get3A_321 = arith.index_cast %get3A_320 : i32 to index
        %get3A_322 = arith.index_cast %mul3A_81 : i32 to index
        %get3A_323 = tpu.vector_load %arg7[%get3A_321, %get3A_322] {strides = array<i32>} : memref<32x128xf32, #tpu.memory_space<vmem>>, vector<16xf32>,
        %get3A_324 = arith.constant 16 : i32
        %get3A_325 = arith.index_cast %get3A_324 : i32 to index
        %get3A_326 = arith.index_cast %mul3A_81 : i32 to index
        %get3A_327 = tpu.vector_load %arg8[%get3A_325, %get3A_326] {strides = array<i32>} : memref<32x128xi32, #tpu.memory_space<vmem>>, vector<16xi32>,
        %lt3A_328 = arith.cmpf olt, %get3A_323, %select_n3A_318 : vector<16xf32>
        %eq3A_329 = arith.cmpf oeq, %get3A_323, %select_n3A_318 : vector<16xf32>
        %lt3A_330 = arith.cmpi slt, %get3A_327, %select_n3A_319 : vector<16xi32>
        %and3A_331 = arith.andi %eq3A_329, %lt3A_330 : vector<16xi1>
        %or3A_332 = arith.ori %lt3A_328, %and3A_331 : vector<16xi1>
        %select_n3A_333 = arith.select %or3A_332, %get3A_323, %select_n3A_318 : vector<16xi1>, vector<16xf32>
        %select_n3A_334 = arith.select %or3A_332, %get3A_327, %select_n3A_319 : vector<16xi1>, vector<16xi32>
        %get3A_335 = arith.constant 17 : i32
        %get3A_336 = arith.index_cast %get3A_335 : i32 to index
        %get3A_337 = arith.index_cast %mul3A_81 : i32 to index
        %get3A_338 = tpu.vector_load %arg7[%get3A_336, %get3A_337] {strides = array<i32>} : memref<32x128xf32, #tpu.memory_space<vmem>>, vector<16xf32>,
        %get3A_339 = arith.constant 17 : i32
        %get3A_340 = arith.index_cast %get3A_339 : i32 to index
        %get3A_341 = arith.index_cast %mul3A_81 : i32 to index
        %get3A_342 = tpu.vector_load %arg8[%get3A_340, %get3A_341] {strides = array<i32>} : memref<32x128xi32, #tpu.memory_space<vmem>>, vector<16xi32>,
        %lt3A_343 = arith.cmpf olt, %get3A_338, %select_n3A_333 : vector<16xf32>
        %eq3A_344 = arith.cmpf oeq, %get3A_338, %select_n3A_333 : vector<16xf32>
        %lt3A_345 = arith.cmpi slt, %get3A_342, %select_n3A_334 : vector<16xi32>
        %and3A_346 = arith.andi %eq3A_344, %lt3A_345 : vector<16xi1>
        %or3A_347 = arith.ori %lt3A_343, %and3A_346 : vector<16xi1>
        %select_n3A_348 = arith.select %or3A_347, %get3A_338, %select_n3A_333 : vector<16xi1>, vector<16xf32>
        %select_n3A_349 = arith.select %or3A_347, %get3A_342, %select_n3A_334 : vector<16xi1>, vector<16xi32>
        %get3A_350 = arith.constant 18 : i32
        %get3A_351 = arith.index_cast %get3A_350 : i32 to index
        %get3A_352 = arith.index_cast %mul3A_81 : i32 to index
        %get3A_353 = tpu.vector_load %arg7[%get3A_351, %get3A_352] {strides = array<i32>} : memref<32x128xf32, #tpu.memory_space<vmem>>, vector<16xf32>,
        %get3A_354 = arith.constant 18 : i32
        %get3A_355 = arith.index_cast %get3A_354 : i32 to index
        %get3A_356 = arith.index_cast %mul3A_81 : i32 to index
        %get3A_357 = tpu.vector_load %arg8[%get3A_355, %get3A_356] {strides = array<i32>} : memref<32x128xi32, #tpu.memory_space<vmem>>, vector<16xi32>,
        %lt3A_358 = arith.cmpf olt, %get3A_353, %select_n3A_348 : vector<16xf32>
        %eq3A_359 = arith.cmpf oeq, %get3A_353, %select_n3A_348 : vector<16xf32>
        %lt3A_360 = arith.cmpi slt, %get3A_357, %select_n3A_349 : vector<16xi32>
        %and3A_361 = arith.andi %eq3A_359, %lt3A_360 : vector<16xi1>
        %or3A_362 = arith.ori %lt3A_358, %and3A_361 : vector<16xi1>
        %select_n3A_363 = arith.select %or3A_362, %get3A_353, %select_n3A_348 : vector<16xi1>, vector<16xf32>
        %select_n3A_364 = arith.select %or3A_362, %get3A_357, %select_n3A_349 : vector<16xi1>, vector<16xi32>
        %get3A_365 = arith.constant 19 : i32
        %get3A_366 = arith.index_cast %get3A_365 : i32 to index
        %get3A_367 = arith.index_cast %mul3A_81 : i32 to index
        %get3A_368 = tpu.vector_load %arg7[%get3A_366, %get3A_367] {strides = array<i32>} : memref<32x128xf32, #tpu.memory_space<vmem>>, vector<16xf32>,
        %get3A_369 = arith.constant 19 : i32
        %get3A_370 = arith.index_cast %get3A_369 : i32 to index
        %get3A_371 = arith.index_cast %mul3A_81 : i32 to index
        %get3A_372 = tpu.vector_load %arg8[%get3A_370, %get3A_371] {strides = array<i32>} : memref<32x128xi32, #tpu.memory_space<vmem>>, vector<16xi32>,
        %lt3A_373 = arith.cmpf olt, %get3A_368, %select_n3A_363 : vector<16xf32>
        %eq3A_374 = arith.cmpf oeq, %get3A_368, %select_n3A_363 : vector<16xf32>
        %lt3A_375 = arith.cmpi slt, %get3A_372, %select_n3A_364 : vector<16xi32>
        %and3A_376 = arith.andi %eq3A_374, %lt3A_375 : vector<16xi1>
        %or3A_377 = arith.ori %lt3A_373, %and3A_376 : vector<16xi1>
        %select_n3A_378 = arith.select %or3A_377, %get3A_368, %select_n3A_363 : vector<16xi1>, vector<16xf32>
        %select_n3A_379 = arith.select %or3A_377, %get3A_372, %select_n3A_364 : vector<16xi1>, vector<16xi32>
        %get3A_380 = arith.constant 20 : i32
        %get3A_381 = arith.index_cast %get3A_380 : i32 to index
        %get3A_382 = arith.index_cast %mul3A_81 : i32 to index
        %get3A_383 = tpu.vector_load %arg7[%get3A_381, %get3A_382] {strides = array<i32>} : memref<32x128xf32, #tpu.memory_space<vmem>>, vector<16xf32>,
        %get3A_384 = arith.constant 20 : i32
        %get3A_385 = arith.index_cast %get3A_384 : i32 to index
        %get3A_386 = arith.index_cast %mul3A_81 : i32 to index
        %get3A_387 = tpu.vector_load %arg8[%get3A_385, %get3A_386] {strides = array<i32>} : memref<32x128xi32, #tpu.memory_space<vmem>>, vector<16xi32>,
        %lt3A_388 = arith.cmpf olt, %get3A_383, %select_n3A_378 : vector<16xf32>
        %eq3A_389 = arith.cmpf oeq, %get3A_383, %select_n3A_378 : vector<16xf32>
        %lt3A_390 = arith.cmpi slt, %get3A_387, %select_n3A_379 : vector<16xi32>
        %and3A_391 = arith.andi %eq3A_389, %lt3A_390 : vector<16xi1>
        %or3A_392 = arith.ori %lt3A_388, %and3A_391 : vector<16xi1>
        %select_n3A_393 = arith.select %or3A_392, %get3A_383, %select_n3A_378 : vector<16xi1>, vector<16xf32>
        %select_n3A_394 = arith.select %or3A_392, %get3A_387, %select_n3A_379 : vector<16xi1>, vector<16xi32>
        %get3A_395 = arith.constant 21 : i32
        %get3A_396 = arith.index_cast %get3A_395 : i32 to index
        %get3A_397 = arith.index_cast %mul3A_81 : i32 to index
        %get3A_398 = tpu.vector_load %arg7[%get3A_396, %get3A_397] {strides = array<i32>} : memref<32x128xf32, #tpu.memory_space<vmem>>, vector<16xf32>,
        %get3A_399 = arith.constant 21 : i32
        %get3A_400 = arith.index_cast %get3A_399 : i32 to index
        %get3A_401 = arith.index_cast %mul3A_81 : i32 to index
        %get3A_402 = tpu.vector_load %arg8[%get3A_400, %get3A_401] {strides = array<i32>} : memref<32x128xi32, #tpu.memory_space<vmem>>, vector<16xi32>,
        %lt3A_403 = arith.cmpf olt, %get3A_398, %select_n3A_393 : vector<16xf32>
        %eq3A_404 = arith.cmpf oeq, %get3A_398, %select_n3A_393 : vector<16xf32>
        %lt3A_405 = arith.cmpi slt, %get3A_402, %select_n3A_394 : vector<16xi32>
        %and3A_406 = arith.andi %eq3A_404, %lt3A_405 : vector<16xi1>
        %or3A_407 = arith.ori %lt3A_403, %and3A_406 : vector<16xi1>
        %select_n3A_408 = arith.select %or3A_407, %get3A_398, %select_n3A_393 : vector<16xi1>, vector<16xf32>
        %select_n3A_409 = arith.select %or3A_407, %get3A_402, %select_n3A_394 : vector<16xi1>, vector<16xi32>
        %get3A_410 = arith.constant 22 : i32
        %get3A_411 = arith.index_cast %get3A_410 : i32 to index
        %get3A_412 = arith.index_cast %mul3A_81 : i32 to index
        %get3A_413 = tpu.vector_load %arg7[%get3A_411, %get3A_412] {strides = array<i32>} : memref<32x128xf32, #tpu.memory_space<vmem>>, vector<16xf32>,
        %get3A_414 = arith.constant 22 : i32
        %get3A_415 = arith.index_cast %get3A_414 : i32 to index
        %get3A_416 = arith.index_cast %mul3A_81 : i32 to index
        %get3A_417 = tpu.vector_load %arg8[%get3A_415, %get3A_416] {strides = array<i32>} : memref<32x128xi32, #tpu.memory_space<vmem>>, vector<16xi32>,
        %lt3A_418 = arith.cmpf olt, %get3A_413, %select_n3A_408 : vector<16xf32>
        %eq3A_419 = arith.cmpf oeq, %get3A_413, %select_n3A_408 : vector<16xf32>
        %lt3A_420 = arith.cmpi slt, %get3A_417, %select_n3A_409 : vector<16xi32>
        %and3A_421 = arith.andi %eq3A_419, %lt3A_420 : vector<16xi1>
        %or3A_422 = arith.ori %lt3A_418, %and3A_421 : vector<16xi1>
        %select_n3A_423 = arith.select %or3A_422, %get3A_413, %select_n3A_408 : vector<16xi1>, vector<16xf32>
        %select_n3A_424 = arith.select %or3A_422, %get3A_417, %select_n3A_409 : vector<16xi1>, vector<16xi32>
        %get3A_425 = arith.constant 23 : i32
        %get3A_426 = arith.index_cast %get3A_425 : i32 to index
        %get3A_427 = arith.index_cast %mul3A_81 : i32 to index
        %get3A_428 = tpu.vector_load %arg7[%get3A_426, %get3A_427] {strides = array<i32>} : memref<32x128xf32, #tpu.memory_space<vmem>>, vector<16xf32>,
        %get3A_429 = arith.constant 23 : i32
        %get3A_430 = arith.index_cast %get3A_429 : i32 to index
        %get3A_431 = arith.index_cast %mul3A_81 : i32 to index
        %get3A_432 = tpu.vector_load %arg8[%get3A_430, %get3A_431] {strides = array<i32>} : memref<32x128xi32, #tpu.memory_space<vmem>>, vector<16xi32>,
        %lt3A_433 = arith.cmpf olt, %get3A_428, %select_n3A_423 : vector<16xf32>
        %eq3A_434 = arith.cmpf oeq, %get3A_428, %select_n3A_423 : vector<16xf32>
        %lt3A_435 = arith.cmpi slt, %get3A_432, %select_n3A_424 : vector<16xi32>
        %and3A_436 = arith.andi %eq3A_434, %lt3A_435 : vector<16xi1>
        %or3A_437 = arith.ori %lt3A_433, %and3A_436 : vector<16xi1>
        %select_n3A_438 = arith.select %or3A_437, %get3A_428, %select_n3A_423 : vector<16xi1>, vector<16xf32>
        %select_n3A_439 = arith.select %or3A_437, %get3A_432, %select_n3A_424 : vector<16xi1>, vector<16xi32>
        %get3A_440 = arith.constant 24 : i32
        %get3A_441 = arith.index_cast %get3A_440 : i32 to index
        %get3A_442 = arith.index_cast %mul3A_81 : i32 to index
        %get3A_443 = tpu.vector_load %arg7[%get3A_441, %get3A_442] {strides = array<i32>} : memref<32x128xf32, #tpu.memory_space<vmem>>, vector<16xf32>,
        %get3A_444 = arith.constant 24 : i32
        %get3A_445 = arith.index_cast %get3A_444 : i32 to index
        %get3A_446 = arith.index_cast %mul3A_81 : i32 to index
        %get3A_447 = tpu.vector_load %arg8[%get3A_445, %get3A_446] {strides = array<i32>} : memref<32x128xi32, #tpu.memory_space<vmem>>, vector<16xi32>,
        %lt3A_448 = arith.cmpf olt, %get3A_443, %select_n3A_438 : vector<16xf32>
        %eq3A_449 = arith.cmpf oeq, %get3A_443, %select_n3A_438 : vector<16xf32>
        %lt3A_450 = arith.cmpi slt, %get3A_447, %select_n3A_439 : vector<16xi32>
        %and3A_451 = arith.andi %eq3A_449, %lt3A_450 : vector<16xi1>
        %or3A_452 = arith.ori %lt3A_448, %and3A_451 : vector<16xi1>
        %select_n3A_453 = arith.select %or3A_452, %get3A_443, %select_n3A_438 : vector<16xi1>, vector<16xf32>
        %select_n3A_454 = arith.select %or3A_452, %get3A_447, %select_n3A_439 : vector<16xi1>, vector<16xi32>
        %get3A_455 = arith.constant 25 : i32
        %get3A_456 = arith.index_cast %get3A_455 : i32 to index
        %get3A_457 = arith.index_cast %mul3A_81 : i32 to index
        %get3A_458 = tpu.vector_load %arg7[%get3A_456, %get3A_457] {strides = array<i32>} : memref<32x128xf32, #tpu.memory_space<vmem>>, vector<16xf32>,
        %get3A_459 = arith.constant 25 : i32
        %get3A_460 = arith.index_cast %get3A_459 : i32 to index
        %get3A_461 = arith.index_cast %mul3A_81 : i32 to index
        %get3A_462 = tpu.vector_load %arg8[%get3A_460, %get3A_461] {strides = array<i32>} : memref<32x128xi32, #tpu.memory_space<vmem>>, vector<16xi32>,
        %lt3A_463 = arith.cmpf olt, %get3A_458, %select_n3A_453 : vector<16xf32>
        %eq3A_464 = arith.cmpf oeq, %get3A_458, %select_n3A_453 : vector<16xf32>
        %lt3A_465 = arith.cmpi slt, %get3A_462, %select_n3A_454 : vector<16xi32>
        %and3A_466 = arith.andi %eq3A_464, %lt3A_465 : vector<16xi1>
        %or3A_467 = arith.ori %lt3A_463, %and3A_466 : vector<16xi1>
        %select_n3A_468 = arith.select %or3A_467, %get3A_458, %select_n3A_453 : vector<16xi1>, vector<16xf32>
        %select_n3A_469 = arith.select %or3A_467, %get3A_462, %select_n3A_454 : vector<16xi1>, vector<16xi32>
        %get3A_470 = arith.constant 26 : i32
        %get3A_471 = arith.index_cast %get3A_470 : i32 to index
        %get3A_472 = arith.index_cast %mul3A_81 : i32 to index
        %get3A_473 = tpu.vector_load %arg7[%get3A_471, %get3A_472] {strides = array<i32>} : memref<32x128xf32, #tpu.memory_space<vmem>>, vector<16xf32>,
        %get3A_474 = arith.constant 26 : i32
        %get3A_475 = arith.index_cast %get3A_474 : i32 to index
        %get3A_476 = arith.index_cast %mul3A_81 : i32 to index
        %get3A_477 = tpu.vector_load %arg8[%get3A_475, %get3A_476] {strides = array<i32>} : memref<32x128xi32, #tpu.memory_space<vmem>>, vector<16xi32>,
        %lt3A_478 = arith.cmpf olt, %get3A_473, %select_n3A_468 : vector<16xf32>
        %eq3A_479 = arith.cmpf oeq, %get3A_473, %select_n3A_468 : vector<16xf32>
        %lt3A_480 = arith.cmpi slt, %get3A_477, %select_n3A_469 : vector<16xi32>
        %and3A_481 = arith.andi %eq3A_479, %lt3A_480 : vector<16xi1>
        %or3A_482 = arith.ori %lt3A_478, %and3A_481 : vector<16xi1>
        %select_n3A_483 = arith.select %or3A_482, %get3A_473, %select_n3A_468 : vector<16xi1>, vector<16xf32>
        %select_n3A_484 = arith.select %or3A_482, %get3A_477, %select_n3A_469 : vector<16xi1>, vector<16xi32>
        %get3A_485 = arith.constant 27 : i32
        %get3A_486 = arith.index_cast %get3A_485 : i32 to index
        %get3A_487 = arith.index_cast %mul3A_81 : i32 to index
        %get3A_488 = tpu.vector_load %arg7[%get3A_486, %get3A_487] {strides = array<i32>} : memref<32x128xf32, #tpu.memory_space<vmem>>, vector<16xf32>,
        %get3A_489 = arith.constant 27 : i32
        %get3A_490 = arith.index_cast %get3A_489 : i32 to index
        %get3A_491 = arith.index_cast %mul3A_81 : i32 to index
        %get3A_492 = tpu.vector_load %arg8[%get3A_490, %get3A_491] {strides = array<i32>} : memref<32x128xi32, #tpu.memory_space<vmem>>, vector<16xi32>,
        %lt3A_493 = arith.cmpf olt, %get3A_488, %select_n3A_483 : vector<16xf32>
        %eq3A_494 = arith.cmpf oeq, %get3A_488, %select_n3A_483 : vector<16xf32>
        %lt3A_495 = arith.cmpi slt, %get3A_492, %select_n3A_484 : vector<16xi32>
        %and3A_496 = arith.andi %eq3A_494, %lt3A_495 : vector<16xi1>
        %or3A_497 = arith.ori %lt3A_493, %and3A_496 : vector<16xi1>
        %select_n3A_498 = arith.select %or3A_497, %get3A_488, %select_n3A_483 : vector<16xi1>, vector<16xf32>
        %select_n3A_499 = arith.select %or3A_497, %get3A_492, %select_n3A_484 : vector<16xi1>, vector<16xi32>
        %get3A_500 = arith.constant 28 : i32
        %get3A_501 = arith.index_cast %get3A_500 : i32 to index
        %get3A_502 = arith.index_cast %mul3A_81 : i32 to index
        %get3A_503 = tpu.vector_load %arg7[%get3A_501, %get3A_502] {strides = array<i32>} : memref<32x128xf32, #tpu.memory_space<vmem>>, vector<16xf32>,
        %get3A_504 = arith.constant 28 : i32
        %get3A_505 = arith.index_cast %get3A_504 : i32 to index
        %get3A_506 = arith.index_cast %mul3A_81 : i32 to index
        %get3A_507 = tpu.vector_load %arg8[%get3A_505, %get3A_506] {strides = array<i32>} : memref<32x128xi32, #tpu.memory_space<vmem>>, vector<16xi32>,
        %lt3A_508 = arith.cmpf olt, %get3A_503, %select_n3A_498 : vector<16xf32>
        %eq3A_509 = arith.cmpf oeq, %get3A_503, %select_n3A_498 : vector<16xf32>
        %lt3A_510 = arith.cmpi slt, %get3A_507, %select_n3A_499 : vector<16xi32>
        %and3A_511 = arith.andi %eq3A_509, %lt3A_510 : vector<16xi1>
        %or3A_512 = arith.ori %lt3A_508, %and3A_511 : vector<16xi1>
        %select_n3A_513 = arith.select %or3A_512, %get3A_503, %select_n3A_498 : vector<16xi1>, vector<16xf32>
        %select_n3A_514 = arith.select %or3A_512, %get3A_507, %select_n3A_499 : vector<16xi1>, vector<16xi32>
        %get3A_515 = arith.constant 29 : i32
        %get3A_516 = arith.index_cast %get3A_515 : i32 to index
        %get3A_517 = arith.index_cast %mul3A_81 : i32 to index
        %get3A_518 = tpu.vector_load %arg7[%get3A_516, %get3A_517] {strides = array<i32>} : memref<32x128xf32, #tpu.memory_space<vmem>>, vector<16xf32>,
        %get3A_519 = arith.constant 29 : i32
        %get3A_520 = arith.index_cast %get3A_519 : i32 to index
        %get3A_521 = arith.index_cast %mul3A_81 : i32 to index
        %get3A_522 = tpu.vector_load %arg8[%get3A_520, %get3A_521] {strides = array<i32>} : memref<32x128xi32, #tpu.memory_space<vmem>>, vector<16xi32>,
        %lt3A_523 = arith.cmpf olt, %get3A_518, %select_n3A_513 : vector<16xf32>
        %eq3A_524 = arith.cmpf oeq, %get3A_518, %select_n3A_513 : vector<16xf32>
        %lt3A_525 = arith.cmpi slt, %get3A_522, %select_n3A_514 : vector<16xi32>
        %and3A_526 = arith.andi %eq3A_524, %lt3A_525 : vector<16xi1>
        %or3A_527 = arith.ori %lt3A_523, %and3A_526 : vector<16xi1>
        %select_n3A_528 = arith.select %or3A_527, %get3A_518, %select_n3A_513 : vector<16xi1>, vector<16xf32>
        %select_n3A_529 = arith.select %or3A_527, %get3A_522, %select_n3A_514 : vector<16xi1>, vector<16xi32>
        %get3A_530 = arith.constant 30 : i32
        %get3A_531 = arith.index_cast %get3A_530 : i32 to index
        %get3A_532 = arith.index_cast %mul3A_81 : i32 to index
        %get3A_533 = tpu.vector_load %arg7[%get3A_531, %get3A_532] {strides = array<i32>} : memref<32x128xf32, #tpu.memory_space<vmem>>, vector<16xf32>,
        %get3A_534 = arith.constant 30 : i32
        %get3A_535 = arith.index_cast %get3A_534 : i32 to index
        %get3A_536 = arith.index_cast %mul3A_81 : i32 to index
        %get3A_537 = tpu.vector_load %arg8[%get3A_535, %get3A_536] {strides = array<i32>} : memref<32x128xi32, #tpu.memory_space<vmem>>, vector<16xi32>,
        %lt3A_538 = arith.cmpf olt, %get3A_533, %select_n3A_528 : vector<16xf32>
        %eq3A_539 = arith.cmpf oeq, %get3A_533, %select_n3A_528 : vector<16xf32>
        %lt3A_540 = arith.cmpi slt, %get3A_537, %select_n3A_529 : vector<16xi32>
        %and3A_541 = arith.andi %eq3A_539, %lt3A_540 : vector<16xi1>
        %or3A_542 = arith.ori %lt3A_538, %and3A_541 : vector<16xi1>
        %select_n3A_543 = arith.select %or3A_542, %get3A_533, %select_n3A_528 : vector<16xi1>, vector<16xf32>
        %select_n3A_544 = arith.select %or3A_542, %get3A_537, %select_n3A_529 : vector<16xi1>, vector<16xi32>
        %get3A_545 = arith.constant 31 : i32
        %get3A_546 = arith.index_cast %get3A_545 : i32 to index
        %get3A_547 = arith.index_cast %mul3A_81 : i32 to index
        %get3A_548 = tpu.vector_load %arg7[%get3A_546, %get3A_547] {strides = array<i32>} : memref<32x128xf32, #tpu.memory_space<vmem>>, vector<16xf32>,
        %get3A_549 = arith.constant 31 : i32
        %get3A_550 = arith.index_cast %get3A_549 : i32 to index
        %get3A_551 = arith.index_cast %mul3A_81 : i32 to index
        %get3A_552 = tpu.vector_load %arg8[%get3A_550, %get3A_551] {strides = array<i32>} : memref<32x128xi32, #tpu.memory_space<vmem>>, vector<16xi32>,
        %lt3A_553 = arith.cmpf olt, %get3A_548, %select_n3A_543 : vector<16xf32>
        %eq3A_554 = arith.cmpf oeq, %get3A_548, %select_n3A_543 : vector<16xf32>
        %lt3A_555 = arith.cmpi slt, %get3A_552, %select_n3A_544 : vector<16xi32>
        %and3A_556 = arith.andi %eq3A_554, %lt3A_555 : vector<16xi1>
        %or3A_557 = arith.ori %lt3A_553, %and3A_556 : vector<16xi1>
        %select_n3A_558 = arith.select %or3A_557, %get3A_548, %select_n3A_543 : vector<16xi1>, vector<16xf32>
        %select_n3A_559 = arith.select %or3A_557, %get3A_552, %select_n3A_544 : vector<16xi1>, vector<16xi32>
        %lt3A_560 = arith.constant 0x7F800000 : f32
        %lt3A_561 = vector.broadcast %lt3A_560 : f32 to vector<16xf32>
        %lt3A_562 = arith.cmpf olt, %select_n3A_558, %lt3A_561 : vector<16xf32>
        %jit3A = arith.constant 0 : i32
        %broadcast_in_dim3A_563 = vector.broadcast %jit3A : i32 to vector<16xi32>
        %select_n3A_564 = arith.select %lt3A_562, %select_n3A_559, %broadcast_in_dim3A_563 : vector<16xi1>, vector<16xi32>
        %swap3A = arith.constant 0 : i32
        %swap3A_565 = arith.index_cast %swap3A : i32 to index
        %swap3A_566 = arith.index_cast %mul3A_81 : i32 to index
        %swap3A_567 = tpu.vector_load %arg9[%swap3A_565, %swap3A_566] {strides = array<i32>} : memref<3x128xi32, #tpu.memory_space<vmem>>, vector<16xi32>,
        tpu.vector_store %arg9[%swap3A_565, %swap3A_566], %select_n3A_564 {strides = array<i32>} : memref<3x128xi32, #tpu.memory_space<vmem>>, vector<16xi32>,
        %add3A_568 = arith.constant 100000 : i32
        %add3A_569 = vector.broadcast %add3A_568 : i32 to vector<16xi32>
        %add3A_570 = arith.addi %select_n3A_564, %add3A_569 : vector<16xi32>
        %swap3A_571 = arith.constant 1 : i32
        %swap3A_572 = arith.index_cast %swap3A_571 : i32 to index
        %swap3A_573 = arith.index_cast %mul3A_81 : i32 to index
        %swap3A_574 = tpu.vector_load %arg9[%swap3A_572, %swap3A_573] {strides = array<i32>} : memref<3x128xi32, #tpu.memory_space<vmem>>, vector<16xi32>,
        tpu.vector_store %arg9[%swap3A_572, %swap3A_573], %add3A_570 {strides = array<i32>} : memref<3x128xi32, #tpu.memory_space<vmem>>, vector<16xi32>,
        %add3A_575 = arith.constant 200000 : i32
        %add3A_576 = vector.broadcast %add3A_575 : i32 to vector<16xi32>
        %add3A_577 = arith.addi %select_n3A_564, %add3A_576 : vector<16xi32>
        %swap3A_578 = arith.constant 2 : i32
        %swap3A_579 = arith.index_cast %swap3A_578 : i32 to index
        %swap3A_580 = arith.index_cast %mul3A_81 : i32 to index
        %swap3A_581 = tpu.vector_load %arg9[%swap3A_579, %swap3A_580] {strides = array<i32>} : memref<3x128xi32, #tpu.memory_space<vmem>>, vector<16xi32>,
        tpu.vector_store %arg9[%swap3A_579, %swap3A_580], %add3A_577 {strides = array<i32>} : memref<3x128xi32, #tpu.memory_space<vmem>>, vector<16xi32>,
        %scan3A_582 = arith.constant 0 : i32
        scf.yield %scan3A_582 : i32
      }
      %scan3A_10 = arith.constant 8 : i32
      %dma_start3A = arith.constant 0 : i32
      %dma_start3A_11 = arith.constant 0 : i32
      %dma_start3A_12 = arith.constant 0 : i32
      %dma_start3A_13 = tpu.memref_slice %arg10[%dma_start3A_11, %dma_start3A_12] : memref<3x128xf32, #tpu.memory_space<vmem>> -> memref<1x128xf32, #tpu.memory_space<vmem>>
      %dma_start3A_14 = tpu.memref_squeeze %dma_start3A_13 : memref<1x128xf32, #tpu.memory_space<vmem>> -> memref<128xf32, #tpu.memory_space<vmem>>
      %dma_start3A_15 = arith.constant 0 : i32
      %dma_start3A_16 = tpu.memref_slice %arg9[%dma_start3A, %dma_start3A_15] : memref<3x128xi32, #tpu.memory_space<vmem>> -> memref<1x128xi32, #tpu.memory_space<vmem>>
      %dma_start3A_17 = tpu.memref_squeeze %dma_start3A_16 : memref<1x128xi32, #tpu.memory_space<vmem>> -> memref<128xi32, #tpu.memory_space<vmem>>
      %dma_start3A_18 = arith.constant 0 : i32
      %dma_start3A_19 = tpu.memref_slice %arg4[%dma_start3A_18] : memref<300000xf32, #tpu.memory_space<hbm>> -> memref<300000xf32, #tpu.memory_space<hbm>>
      tpu.enqueue_indirect_dma source(%dma_start3A_19 : memref<300000xf32, #tpu.memory_space<hbm>>) target(%dma_start3A_14 : memref<128xf32, #tpu.memory_space<vmem>>) offsets(%dma_start3A_17 : memref<128xi32, #tpu.memory_space<vmem>>) semaphore(%arg13 : memref<!tpu.dma_semaphore, #tpu.memory_space<semaphore_mem>>)
      %dma_start3A_20 = arith.constant 1 : i32
      %dma_start3A_21 = arith.constant 1 : i32
      %dma_start3A_22 = arith.constant 0 : i32
      %dma_start3A_23 = tpu.memref_slice %arg10[%dma_start3A_21, %dma_start3A_22] : memref<3x128xf32, #tpu.memory_space<vmem>> -> memref<1x128xf32, #tpu.memory_space<vmem>>
      %dma_start3A_24 = tpu.memref_squeeze %dma_start3A_23 : memref<1x128xf32, #tpu.memory_space<vmem>> -> memref<128xf32, #tpu.memory_space<vmem>>
      %dma_start3A_25 = arith.constant 0 : i32
      %dma_start3A_26 = tpu.memref_slice %arg9[%dma_start3A_20, %dma_start3A_25] : memref<3x128xi32, #tpu.memory_space<vmem>> -> memref<1x128xi32, #tpu.memory_space<vmem>>
      %dma_start3A_27 = tpu.memref_squeeze %dma_start3A_26 : memref<1x128xi32, #tpu.memory_space<vmem>> -> memref<128xi32, #tpu.memory_space<vmem>>
      %dma_start3A_28 = arith.constant 0 : i32
      %dma_start3A_29 = tpu.memref_slice %arg4[%dma_start3A_28] : memref<300000xf32, #tpu.memory_space<hbm>> -> memref<300000xf32, #tpu.memory_space<hbm>>
      tpu.enqueue_indirect_dma source(%dma_start3A_29 : memref<300000xf32, #tpu.memory_space<hbm>>) target(%dma_start3A_24 : memref<128xf32, #tpu.memory_space<vmem>>) offsets(%dma_start3A_27 : memref<128xi32, #tpu.memory_space<vmem>>) semaphore(%arg13 : memref<!tpu.dma_semaphore, #tpu.memory_space<semaphore_mem>>)
      %dma_start3A_30 = arith.constant 2 : i32
      %dma_start3A_31 = arith.constant 2 : i32
      %dma_start3A_32 = arith.constant 0 : i32
      %dma_start3A_33 = tpu.memref_slice %arg10[%dma_start3A_31, %dma_start3A_32] : memref<3x128xf32, #tpu.memory_space<vmem>> -> memref<1x128xf32, #tpu.memory_space<vmem>>
      %dma_start3A_34 = tpu.memref_squeeze %dma_start3A_33 : memref<1x128xf32, #tpu.memory_space<vmem>> -> memref<128xf32, #tpu.memory_space<vmem>>
      %dma_start3A_35 = arith.constant 0 : i32
      %dma_start3A_36 = tpu.memref_slice %arg9[%dma_start3A_30, %dma_start3A_35] : memref<3x128xi32, #tpu.memory_space<vmem>> -> memref<1x128xi32, #tpu.memory_space<vmem>>
      %dma_start3A_37 = tpu.memref_squeeze %dma_start3A_36 : memref<1x128xi32, #tpu.memory_space<vmem>> -> memref<128xi32, #tpu.memory_space<vmem>>
      %dma_start3A_38 = arith.constant 0 : i32
      %dma_start3A_39 = tpu.memref_slice %arg4[%dma_start3A_38] : memref<300000xf32, #tpu.memory_space<hbm>> -> memref<300000xf32, #tpu.memory_space<hbm>>
      tpu.enqueue_indirect_dma source(%dma_start3A_39 : memref<300000xf32, #tpu.memory_space<hbm>>) target(%dma_start3A_34 : memref<128xf32, #tpu.memory_space<vmem>>) offsets(%dma_start3A_37 : memref<128xi32, #tpu.memory_space<vmem>>) semaphore(%arg13 : memref<!tpu.dma_semaphore, #tpu.memory_space<semaphore_mem>>)
      %dma_wait3A = arith.constant 0 : i32
      %dma_wait3A_40 = arith.constant 0 : i32
      %dma_wait3A_41 = arith.constant 0 : i32
      %dma_wait3A_42 = tpu.memref_slice %arg10[%dma_wait3A_40, %dma_wait3A_41] : memref<3x128xf32, #tpu.memory_space<vmem>> -> memref<1x128xf32, #tpu.memory_space<vmem>>
      %dma_wait3A_43 = tpu.memref_squeeze %dma_wait3A_42 : memref<1x128xf32, #tpu.memory_space<vmem>> -> memref<128xf32, #tpu.memory_space<vmem>>
      %dma_wait3A_44 = arith.constant 0 : i32
      %dma_wait3A_45 = tpu.memref_slice %arg9[%dma_wait3A, %dma_wait3A_44] : memref<3x128xi32, #tpu.memory_space<vmem>> -> memref<1x128xi32, #tpu.memory_space<vmem>>
      %dma_wait3A_46 = tpu.memref_squeeze %dma_wait3A_45 : memref<1x128xi32, #tpu.memory_space<vmem>> -> memref<128xi32, #tpu.memory_space<vmem>>
      %dma_wait3A_47 = arith.constant 0 : i32
      %dma_wait3A_48 = tpu.memref_slice %arg4[%dma_wait3A_47] : memref<300000xf32, #tpu.memory_space<hbm>> -> memref<300000xf32, #tpu.memory_space<hbm>>
      tpu.wait_indirect_dma semaphore(%arg13 : memref<!tpu.dma_semaphore, #tpu.memory_space<semaphore_mem>>) src(%dma_wait3A_48 : memref<300000xf32, #tpu.memory_space<hbm>>) dst(%dma_wait3A_43 : memref<128xf32, #tpu.memory_space<vmem>>)
      %dma_wait3A_49 = arith.constant 1 : i32
      %dma_wait3A_50 = arith.constant 1 : i32
      %dma_wait3A_51 = arith.constant 0 : i32
      %dma_wait3A_52 = tpu.memref_slice %arg10[%dma_wait3A_50, %dma_wait3A_51] : memref<3x128xf32, #tpu.memory_space<vmem>> -> memref<1x128xf32, #tpu.memory_space<vmem>>
      %dma_wait3A_53 = tpu.memref_squeeze %dma_wait3A_52 : memref<1x128xf32, #tpu.memory_space<vmem>> -> memref<128xf32, #tpu.memory_space<vmem>>
      %dma_wait3A_54 = arith.constant 0 : i32
      %dma_wait3A_55 = tpu.memref_slice %arg9[%dma_wait3A_49, %dma_wait3A_54] : memref<3x128xi32, #tpu.memory_space<vmem>> -> memref<1x128xi32, #tpu.memory_space<vmem>>
      %dma_wait3A_56 = tpu.memref_squeeze %dma_wait3A_55 : memref<1x128xi32, #tpu.memory_space<vmem>> -> memref<128xi32, #tpu.memory_space<vmem>>
      %dma_wait3A_57 = arith.constant 0 : i32
      %dma_wait3A_58 = tpu.memref_slice %arg4[%dma_wait3A_57] : memref<300000xf32, #tpu.memory_space<hbm>> -> memref<300000xf32, #tpu.memory_space<hbm>>
      tpu.wait_indirect_dma semaphore(%arg13 : memref<!tpu.dma_semaphore, #tpu.memory_space<semaphore_mem>>) src(%dma_wait3A_58 : memref<300000xf32, #tpu.memory_space<hbm>>) dst(%dma_wait3A_53 : memref<128xf32, #tpu.memory_space<vmem>>)
      %dma_wait3A_59 = arith.constant 2 : i32
      %dma_wait3A_60 = arith.constant 2 : i32
      %dma_wait3A_61 = arith.constant 0 : i32
      %dma_wait3A_62 = tpu.memref_slice %arg10[%dma_wait3A_60, %dma_wait3A_61] : memref<3x128xf32, #tpu.memory_space<vmem>> -> memref<1x128xf32, #tpu.memory_space<vmem>>
      %dma_wait3A_63 = tpu.memref_squeeze %dma_wait3A_62 : memref<1x128xf32, #tpu.memory_space<vmem>> -> memref<128xf32, #tpu.memory_space<vmem>>
      %dma_wait3A_64 = arith.constant 0 : i32
      %dma_wait3A_65 = tpu.memref_slice %arg9[%dma_wait3A_59, %dma_wait3A_64] : memref<3x128xi32, #tpu.memory_space<vmem>> -> memref<1x128xi32, #tpu.memory_space<vmem>>
      %dma_wait3A_66 = tpu.memref_squeeze %dma_wait3A_65 : memref<1x128xi32, #tpu.memory_space<vmem>> -> memref<128xi32, #tpu.memory_space<vmem>>
      %dma_wait3A_67 = arith.constant 0 : i32
      %dma_wait3A_68 = tpu.memref_slice %arg4[%dma_wait3A_67] : memref<300000xf32, #tpu.memory_space<hbm>> -> memref<300000xf32, #tpu.memory_space<hbm>>
      tpu.wait_indirect_dma semaphore(%arg13 : memref<!tpu.dma_semaphore, #tpu.memory_space<semaphore_mem>>) src(%dma_wait3A_68 : memref<300000xf32, #tpu.memory_space<hbm>>) dst(%dma_wait3A_63 : memref<128xf32, #tpu.memory_space<vmem>>)
      %scan3A_69 = arith.constant 0 : i32
      %scan3A_70 = arith.constant 0 : i32
      %scan3A_71 = arith.constant 8 : i32
      %scan3A_72 = arith.addi %scan3A_70, %scan3A_71 : i32
      %scan3A_73 = arith.constant 1 : i32
      %scan3A_74 = scf.for %scan3A_78 = %scan3A_70 to %scan3A_72 step %scan3A_73 iter_args(%scan3A_79 = %scan3A_69) -> (i32)  : i32 {
        %mul3A_80 = arith.constant 16 : i32
        %mul3A_81 = arith.muli %scan3A_78, %mul3A_80 : i32
        %get3A = arith.constant 0 : i32
        %get3A_82 = arith.index_cast %get3A : i32 to index
        %get3A_83 = arith.index_cast %mul3A_81 : i32 to index
        %get3A_84 = tpu.vector_load %arg10[%get3A_82, %get3A_83] {strides = array<i32>} : memref<3x128xf32, #tpu.memory_space<vmem>>, vector<16xf32>,
        %get3A_85 = arith.constant 1 : i32
        %get3A_86 = arith.index_cast %get3A_85 : i32 to index
        %get3A_87 = arith.index_cast %mul3A_81 : i32 to index
        %get3A_88 = tpu.vector_load %arg10[%get3A_86, %get3A_87] {strides = array<i32>} : memref<3x128xf32, #tpu.memory_space<vmem>>, vector<16xf32>,
        %get3A_89 = arith.constant 2 : i32
        %get3A_90 = arith.index_cast %get3A_89 : i32 to index
        %get3A_91 = arith.index_cast %mul3A_81 : i32 to index
        %get3A_92 = tpu.vector_load %arg10[%get3A_90, %get3A_91] {strides = array<i32>} : memref<3x128xf32, #tpu.memory_space<vmem>>, vector<16xf32>,
        %mul3A_93 = arith.mulf %get3A_84, %get3A_84 : vector<16xf32>
        %mul3A_94 = arith.mulf %get3A_88, %get3A_88 : vector<16xf32>
        %add3A_95 = arith.addf %mul3A_93, %mul3A_94 : vector<16xf32>
        %mul3A_96 = arith.mulf %get3A_92, %get3A_92 : vector<16xf32>
        %add3A_97 = arith.addf %add3A_95, %mul3A_96 : vector<16xf32>
        %bitcast3A = vector.bitcast %add3A_97 : vector<16xf32> to vector<16xi32>
        %shift_right_arithmetic3A = arith.constant 1 : i32
        %shift_right_arithmetic3A_98 = vector.broadcast %shift_right_arithmetic3A : i32 to vector<16xi32>
        %shift_right_arithmetic3A_99 = arith.shrsi %bitcast3A, %shift_right_arithmetic3A_98 : vector<16xi32>
        %add3A_100 = arith.constant 532487669 : i32
        %add3A_101 = vector.broadcast %add3A_100 : i32 to vector<16xi32>
        %add3A_102 = arith.addi %add3A_101, %shift_right_arithmetic3A_99 : vector<16xi32>
        %bitcast3A_103 = vector.bitcast %add3A_102 : vector<16xi32> to vector<16xf32>
        %div3A = arith.divf %add3A_97, %bitcast3A_103 : vector<16xf32>
        %add3A_104 = arith.addf %bitcast3A_103, %div3A : vector<16xf32>
        %mul3A_105 = arith.constant 5.000000e-01 : f32
        %mul3A_106 = vector.broadcast %mul3A_105 : f32 to vector<16xf32>
        %mul3A_107 = arith.mulf %mul3A_106, %add3A_104 : vector<16xf32>
        %div3A_108 = arith.divf %add3A_97, %mul3A_107 : vector<16xf32>
        %add3A_109 = arith.addf %mul3A_107, %div3A_108 : vector<16xf32>
        %mul3A_110 = arith.constant 5.000000e-01 : f32
        %mul3A_111 = vector.broadcast %mul3A_110 : f32 to vector<16xf32>
        %mul3A_112 = arith.mulf %mul3A_111, %add3A_109 : vector<16xf32>
        %div3A_113 = arith.divf %add3A_97, %mul3A_112 : vector<16xf32>
        %add3A_114 = arith.addf %mul3A_112, %div3A_113 : vector<16xf32>
        %mul3A_115 = arith.constant 5.000000e-01 : f32
        %mul3A_116 = vector.broadcast %mul3A_115 : f32 to vector<16xf32>
        %mul3A_117 = arith.mulf %mul3A_116, %add3A_114 : vector<16xf32>
        %gt3A = arith.constant 0.000000e+00 : f32
        %gt3A_118 = vector.broadcast %gt3A : f32 to vector<16xf32>
        %gt3A_119 = arith.cmpf ogt, %add3A_97, %gt3A_118 : vector<16xf32>
        %jit3A = arith.constant 0.000000e+00 : f32
        %broadcast_in_dim3A = vector.broadcast %jit3A : f32 to vector<16xf32>
        %select_n3A = arith.select %gt3A_119, %mul3A_117, %broadcast_in_dim3A : vector<16xi1>, vector<16xf32>
        %swap3A = arith.index_cast %mul3A_81 : i32 to index
        %swap3A_120 = tpu.vector_load %arg12[%swap3A] {strides = array<i32>} : memref<128xf32, #tpu.memory_space<vmem>>, vector<16xf32>,
        tpu.vector_store %arg12[%swap3A], %select_n3A {strides = array<i32>} : memref<128xf32, #tpu.memory_space<vmem>>, vector<16xf32>,
        %mul3A_121 = arith.constant 16 : i32
        %mul3A_122 = arith.muli %scan3A_78, %mul3A_121 : i32
        %broadcast_in_dim3A_123 = vector.broadcast %mul3A_122 : i32 to vector<16xi32>
        %add3A_124 = arith.addi %broadcast_in_dim3A_123, %iota3A : vector<16xi32>
        %mul3A_125 = arith.constant 3 : i32
        %mul3A_126 = vector.broadcast %mul3A_125 : i32 to vector<16xi32>
        %mul3A_127 = arith.muli %add3A_124, %mul3A_126 : vector<16xi32>
        tpu.vector_store_idx %arg11[%mul3A_127], %get3A_84 : memref<384xf32, #tpu.memory_space<vmem>>[vector<16xi32>], vector<16xf32>,
        %add3A_128 = arith.constant 1 : i32
        %add3A_129 = vector.broadcast %add3A_128 : i32 to vector<16xi32>
        %add3A_130 = arith.addi %mul3A_127, %add3A_129 : vector<16xi32>
        tpu.vector_store_idx %arg11[%add3A_130], %get3A_88 : memref<384xf32, #tpu.memory_space<vmem>>[vector<16xi32>], vector<16xf32>,
        %add3A_131 = arith.constant 2 : i32
        %add3A_132 = vector.broadcast %add3A_131 : i32 to vector<16xi32>
        %add3A_133 = arith.addi %mul3A_127, %add3A_132 : vector<16xi32>
        tpu.vector_store_idx %arg11[%add3A_133], %get3A_92 : memref<384xf32, #tpu.memory_space<vmem>>[vector<16xi32>], vector<16xf32>,
        %scan3A_134 = arith.constant 0 : i32
        scf.yield %scan3A_134 : i32
      }
      %scan3A_75 = arith.constant 8 : i32
      "tpu.region"() ({
        %run_scoped3A = tpu.sem_alloc : memref<!tpu.dma_semaphore, #tpu.memory_space<semaphore_mem>>
        %dma_start3A_78 = tpu.memref_slice %arg5[%mul3A_4] : memref<1024xf32, #tpu.memory_space<hbm>> -> memref<128xf32, #tpu.memory_space<hbm>>
        %dma_start3A_79 = tpu.memref_slice %arg5[%mul3A_4] : memref<1024xf32, #tpu.memory_space<hbm>> -> memref<128xf32, #tpu.memory_space<hbm>>
        tpu.enqueue_dma source(%arg12 : memref<128xf32, #tpu.memory_space<vmem>>) target(%dma_start3A_79 : memref<128xf32, #tpu.memory_space<hbm>>) target_semaphore(%run_scoped3A : memref<!tpu.dma_semaphore, #tpu.memory_space<semaphore_mem>>)
        %dma_wait3A_80 = tpu.memref_slice %arg5[%mul3A_4] : memref<1024xf32, #tpu.memory_space<hbm>> -> memref<128xf32, #tpu.memory_space<hbm>>
        %dma_wait3A_81 = tpu.memref_slice %arg5[%mul3A_4] : memref<1024xf32, #tpu.memory_space<hbm>> -> memref<128xf32, #tpu.memory_space<hbm>>
        tpu.wait_dma2 semaphore(%run_scoped3A : memref<!tpu.dma_semaphore, #tpu.memory_space<semaphore_mem>>) src(%arg12 : memref<128xf32, #tpu.memory_space<vmem>>) dst(%dma_wait3A_81 : memref<128xf32, #tpu.memory_space<hbm>>)
        tpu.yield
      }) : () -> ()
      %mul3A_76 = arith.constant 3 : i32
      %mul3A_77 = arith.muli %mul3A_4, %mul3A_76 : i32
      "tpu.region"() ({
        %run_scoped3A = tpu.sem_alloc : memref<!tpu.dma_semaphore, #tpu.memory_space<semaphore_mem>>
        %dma_start3A_78 = tpu.memref_slice %arg6[%mul3A_77] : memref<3072xf32, #tpu.memory_space<hbm>> -> memref<384xf32, #tpu.memory_space<hbm>>
        %dma_start3A_79 = tpu.memref_slice %arg6[%mul3A_77] : memref<3072xf32, #tpu.memory_space<hbm>> -> memref<384xf32, #tpu.memory_space<hbm>>
        tpu.enqueue_dma source(%arg11 : memref<384xf32, #tpu.memory_space<vmem>>) target(%dma_start3A_79 : memref<384xf32, #tpu.memory_space<hbm>>) target_semaphore(%run_scoped3A : memref<!tpu.dma_semaphore, #tpu.memory_space<semaphore_mem>>)
        %dma_wait3A_80 = tpu.memref_slice %arg6[%mul3A_77] : memref<3072xf32, #tpu.memory_space<hbm>> -> memref<384xf32, #tpu.memory_space<hbm>>
        %dma_wait3A_81 = tpu.memref_slice %arg6[%mul3A_77] : memref<3072xf32, #tpu.memory_space<hbm>> -> memref<384xf32, #tpu.memory_space<hbm>>
        tpu.wait_dma2 semaphore(%run_scoped3A : memref<!tpu.dma_semaphore, #tpu.memory_space<semaphore_mem>>) src(%arg11 : memref<384xf32, #tpu.memory_space<vmem>>) dst(%dma_wait3A_81 : memref<384xf32, #tpu.memory_space<hbm>>)
        tpu.yield
      }) : () -> ()
    } else {
    }
    return
  }
}

#map = affine_map<(d0, d1) -> (0, 0)>
#map1 = affine_map<(d0, d1) -> (0)>
module attributes {stable_mosaic.version = 14 : i64} {
  func.func @_phase1(%arg0: i32, %arg1: i32, %arg2: memref<100000x128xf32, #tpu.memory_space<hbm>>, %arg3: memref<100000xf32, #tpu.memory_space<hbm>>, %arg4: memref<100000xi32, #tpu.memory_space<hbm>>, %arg5: memref<32x1024xf32, #tpu.memory_space<hbm>>, %arg6: memref<32x1024xi32, #tpu.memory_space<hbm>>, %arg7: memref<3200x8xf32, #tpu.memory_space<vmem>>, %arg8: memref<3200xf32, #tpu.memory_space<vmem>>, %arg9: memref<3200xi32, #tpu.memory_space<vmem>>, %arg10: memref<1024xf32, #tpu.memory_space<vmem>>, %arg11: memref<1024xi32, #tpu.memory_space<vmem>>, %arg12: memref<!tpu.dma_semaphore, #tpu.memory_space<semaphore_mem>>, %arg13: memref<!tpu.dma_semaphore, #tpu.memory_space<semaphore_mem>>) attributes {dimension_semantics = [#tpu.dimension_semantics<core_parallel>, #tpu.dimension_semantics<subcore_parallel>], iteration_bounds = array<i64: 2, 16>, scalar_prefetch = 0 : i64, scratch_operands = 7 : i64, tpu.core_type = #tpu.core_type<sc_vector_subcore>, window_params = [{transform_indices = #map}, {transform_indices = #map1}, {transform_indices = #map1}, {transform_indices = #map}, {transform_indices = #map}]} {
    %mul3A = arith.constant 2 : i32
    %mul3A_0 = arith.muli %arg1, %mul3A : i32
    %add3A = arith.addi %mul3A_0, %arg0 : i32
    %mul3A_1 = arith.constant 3200 : i32
    %mul3A_2 = arith.muli %add3A, %mul3A_1 : i32
    %min3A = arith.constant 96800 : i32
    %min3A_3 = arith.minsi %mul3A_2, %min3A : i32
    %iota3A = tpu.iota {dimensions = array<i32: 0>} : vector<16xi32>
    %eq3A = arith.constant 0 : i32
    %eq3A_4 = vector.broadcast %eq3A : i32 to vector<16xi32>
    %eq3A_5 = arith.cmpi eq, %iota3A, %eq3A_4 : vector<16xi32>
    %dma_start3A = arith.constant 0 : i32
    %dma_start3A_6 = tpu.memref_slice %arg2[%min3A_3, %dma_start3A] : memref<100000x128xf32, #tpu.memory_space<hbm>> -> memref<3200x8xf32, #tpu.memory_space<hbm>>
    %dma_start3A_7 = arith.constant 0 : i32
    %dma_start3A_8 = tpu.memref_slice %arg2[%min3A_3, %dma_start3A_7] : memref<100000x128xf32, #tpu.memory_space<hbm>> -> memref<3200x8xf32, #tpu.memory_space<hbm>>
    tpu.enqueue_dma source(%dma_start3A_8 : memref<3200x8xf32, #tpu.memory_space<hbm>>) target(%arg7 : memref<3200x8xf32, #tpu.memory_space<vmem>>) target_semaphore(%arg12 : memref<!tpu.dma_semaphore, #tpu.memory_space<semaphore_mem>>)
    %dma_start3A_9 = tpu.memref_slice %arg3[%min3A_3] : memref<100000xf32, #tpu.memory_space<hbm>> -> memref<3200xf32, #tpu.memory_space<hbm>>
    %dma_start3A_10 = tpu.memref_slice %arg3[%min3A_3] : memref<100000xf32, #tpu.memory_space<hbm>> -> memref<3200xf32, #tpu.memory_space<hbm>>
    tpu.enqueue_dma source(%dma_start3A_10 : memref<3200xf32, #tpu.memory_space<hbm>>) target(%arg8 : memref<3200xf32, #tpu.memory_space<vmem>>) target_semaphore(%arg13 : memref<!tpu.dma_semaphore, #tpu.memory_space<semaphore_mem>>)
    %dma_start3A_11 = tpu.memref_slice %arg4[%min3A_3] : memref<100000xi32, #tpu.memory_space<hbm>> -> memref<3200xi32, #tpu.memory_space<hbm>>
    %dma_start3A_12 = tpu.memref_slice %arg4[%min3A_3] : memref<100000xi32, #tpu.memory_space<hbm>> -> memref<3200xi32, #tpu.memory_space<hbm>>
    tpu.enqueue_dma source(%dma_start3A_12 : memref<3200xi32, #tpu.memory_space<hbm>>) target(%arg9 : memref<3200xi32, #tpu.memory_space<vmem>>) target_semaphore(%arg13 : memref<!tpu.dma_semaphore, #tpu.memory_space<semaphore_mem>>)
    %broadcast_in_dim3A = arith.constant 0x7F800000 : f32
    %broadcast_in_dim3A_13 = vector.broadcast %broadcast_in_dim3A : f32 to vector<16xf32>
    %broadcast_in_dim3A_14 = arith.constant 100000 : i32
    %broadcast_in_dim3A_15 = vector.broadcast %broadcast_in_dim3A_14 : i32 to vector<16xi32>
    %scan3A = arith.constant 0 : i32
    %scan3A_16 = arith.constant 0 : i32
    %scan3A_17 = arith.constant 64 : i32
    %scan3A_18 = arith.addi %scan3A_16, %scan3A_17 : i32
    %scan3A_19 = arith.constant 1 : i32
    %scan3A_20 = scf.for %scan3A_58 = %scan3A_16 to %scan3A_18 step %scan3A_19 iter_args(%scan3A_59 = %scan3A) -> (i32)  : i32 {
      %mul3A_60 = arith.constant 16 : i32
      %mul3A_61 = arith.muli %scan3A_58, %mul3A_60 : i32
      %swap3A = arith.index_cast %mul3A_61 : i32 to index
      %swap3A_62 = tpu.vector_load %arg10[%swap3A] {strides = array<i32>} : memref<1024xf32, #tpu.memory_space<vmem>>, vector<16xf32>,
      tpu.vector_store %arg10[%swap3A], %broadcast_in_dim3A_13 {strides = array<i32>} : memref<1024xf32, #tpu.memory_space<vmem>>, vector<16xf32>,
      %mul3A_63 = arith.constant 16 : i32
      %mul3A_64 = arith.muli %scan3A_58, %mul3A_63 : i32
      %swap3A_65 = arith.index_cast %mul3A_64 : i32 to index
      %swap3A_66 = tpu.vector_load %arg11[%swap3A_65] {strides = array<i32>} : memref<1024xi32, #tpu.memory_space<vmem>>, vector<16xi32>,
      tpu.vector_store %arg11[%swap3A_65], %broadcast_in_dim3A_15 {strides = array<i32>} : memref<1024xi32, #tpu.memory_space<vmem>>, vector<16xi32>,
      %scan3A_67 = arith.constant 0 : i32
      scf.yield %scan3A_67 : i32
    }
    %scan3A_21 = arith.constant 64 : i32
    %dma_wait3A = tpu.memref_slice %arg3[%min3A_3] : memref<100000xf32, #tpu.memory_space<hbm>> -> memref<3200xf32, #tpu.memory_space<hbm>>
    %dma_wait3A_22 = tpu.memref_slice %arg3[%min3A_3] : memref<100000xf32, #tpu.memory_space<hbm>> -> memref<3200xf32, #tpu.memory_space<hbm>>
    tpu.wait_dma2 semaphore(%arg13 : memref<!tpu.dma_semaphore, #tpu.memory_space<semaphore_mem>>) src(%dma_wait3A_22 : memref<3200xf32, #tpu.memory_space<hbm>>) dst(%arg8 : memref<3200xf32, #tpu.memory_space<vmem>>)
    %dma_wait3A_23 = tpu.memref_slice %arg4[%min3A_3] : memref<100000xi32, #tpu.memory_space<hbm>> -> memref<3200xi32, #tpu.memory_space<hbm>>
    %dma_wait3A_24 = tpu.memref_slice %arg4[%min3A_3] : memref<100000xi32, #tpu.memory_space<hbm>> -> memref<3200xi32, #tpu.memory_space<hbm>>
    tpu.wait_dma2 semaphore(%arg13 : memref<!tpu.dma_semaphore, #tpu.memory_space<semaphore_mem>>) src(%dma_wait3A_24 : memref<3200xi32, #tpu.memory_space<hbm>>) dst(%arg9 : memref<3200xi32, #tpu.memory_space<vmem>>)
    %get3A = arith.constant 0 : index
    %get3A_25 = tpu.vector_load %arg9[%get3A] {strides = array<i32>} : memref<3200xi32, #tpu.memory_space<vmem>>, vector<16xi32>,
    %slice3A = vector.extract_strided_slice %get3A_25 {offsets = [0], sizes = [1], strides = [1]} : vector<16xi32> to vector<1xi32>
    %squeeze3A = vector.extract %slice3A[0] : i32 from vector<1xi32>
    %broadcast_in_dim3A_26 = arith.constant 0x7F800000 : f32
    %broadcast_in_dim3A_27 = vector.broadcast %broadcast_in_dim3A_26 : f32 to vector<16xf32>
    %broadcast_in_dim3A_28 = arith.constant 0 : i32
    %broadcast_in_dim3A_29 = vector.broadcast %broadcast_in_dim3A_28 : i32 to vector<16xi32>
    %dma_wait3A_30 = arith.constant 0 : i32
    %dma_wait3A_31 = tpu.memref_slice %arg2[%min3A_3, %dma_wait3A_30] : memref<100000x128xf32, #tpu.memory_space<hbm>> -> memref<3200x8xf32, #tpu.memory_space<hbm>>
    %dma_wait3A_32 = arith.constant 0 : i32
    %dma_wait3A_33 = tpu.memref_slice %arg2[%min3A_3, %dma_wait3A_32] : memref<100000x128xf32, #tpu.memory_space<hbm>> -> memref<3200x8xf32, #tpu.memory_space<hbm>>
    tpu.wait_dma2 semaphore(%arg12 : memref<!tpu.dma_semaphore, #tpu.memory_space<semaphore_mem>>) src(%dma_wait3A_33 : memref<3200x8xf32, #tpu.memory_space<hbm>>) dst(%arg7 : memref<3200x8xf32, #tpu.memory_space<vmem>>)
    %scan3A_34 = arith.constant 0 : i32
    %scan3A_35 = arith.constant 100 : i32
    %scan3A_36 = arith.addi %scan3A_34, %scan3A_35 : i32
    %scan3A_37 = arith.constant 1 : i32
    %scan3A_38:3 = scf.for %scan3A_58 = %scan3A_34 to %scan3A_36 step %scan3A_37 iter_args(%scan3A_59 = %squeeze3A, %scan3A_60 = %broadcast_in_dim3A_27, %scan3A_61 = %broadcast_in_dim3A_29) -> (i32, vector<16xf32>, vector<16xi32>)  : i32 {
      %mul3A_62 = arith.constant 2 : i32
      %mul3A_63 = arith.muli %scan3A_58, %mul3A_62 : i32
      %add3A_64 = arith.constant 1 : i32
      %add3A_65 = arith.addi %mul3A_63, %add3A_64 : i32
      %mul3A_66 = arith.constant 2 : i32
      %mul3A_67 = arith.muli %scan3A_58, %mul3A_66 : i32
      %mul3A_68 = arith.constant 16 : i32
      %mul3A_69 = arith.muli %mul3A_67, %mul3A_68 : i32
      %get3A_70 = arith.index_cast %mul3A_69 : i32 to index
      %get3A_71 = tpu.vector_load %arg9[%get3A_70] {strides = array<i32>} : memref<3200xi32, #tpu.memory_space<vmem>>, vector<16xi32>,
      %get3A_72 = arith.index_cast %mul3A_69 : i32 to index
      %get3A_73 = tpu.vector_load %arg8[%get3A_72] {strides = array<i32>} : memref<3200xf32, #tpu.memory_space<vmem>>, vector<16xf32>,
      %broadcast_in_dim3A_74 = vector.broadcast %mul3A_69 : i32 to vector<16xi32>
      %add3A_75 = arith.addi %broadcast_in_dim3A_74, %iota3A : vector<16xi32>
      %broadcast_in_dim3A_76 = arith.constant 3 : i32
      %broadcast_in_dim3A_77 = vector.broadcast %broadcast_in_dim3A_76 : i32 to vector<16xi32>
      %gather3A = tpu.vector_load_idx %arg7[%add3A_75, %broadcast_in_dim3A_77] : memref<3200x8xf32, #tpu.memory_space<vmem>>[vector<16xi32>, vector<16xi32>], vector<16xf32>,
      %broadcast_in_dim3A_78 = arith.constant 4 : i32
      %broadcast_in_dim3A_79 = vector.broadcast %broadcast_in_dim3A_78 : i32 to vector<16xi32>
      %gather3A_80 = tpu.vector_load_idx %arg7[%add3A_75, %broadcast_in_dim3A_79] : memref<3200x8xf32, #tpu.memory_space<vmem>>[vector<16xi32>, vector<16xi32>], vector<16xf32>,
      %broadcast_in_dim3A_81 = arith.constant 5 : i32
      %broadcast_in_dim3A_82 = vector.broadcast %broadcast_in_dim3A_81 : i32 to vector<16xi32>
      %gather3A_83 = tpu.vector_load_idx %arg7[%add3A_75, %broadcast_in_dim3A_82] : memref<3200x8xf32, #tpu.memory_space<vmem>>[vector<16xi32>, vector<16xi32>], vector<16xf32>,
      %broadcast_in_dim3A_84 = arith.constant 6 : i32
      %broadcast_in_dim3A_85 = vector.broadcast %broadcast_in_dim3A_84 : i32 to vector<16xi32>
      %gather3A_86 = tpu.vector_load_idx %arg7[%add3A_75, %broadcast_in_dim3A_85] : memref<3200x8xf32, #tpu.memory_space<vmem>>[vector<16xi32>, vector<16xi32>], vector<16xf32>,
      %gt3A = arith.cmpf ogt, %gather3A_80, %gather3A : vector<16xf32>
      %ge3A = arith.cmpf oge, %gather3A_80, %gather3A_83 : vector<16xf32>
      %and3A_87 = arith.andi %gt3A, %ge3A : vector<16xi1>
      %ge3A_88 = arith.cmpf oge, %gather3A_80, %gather3A_86 : vector<16xf32>
      %and3A_89 = arith.andi %and3A_87, %ge3A_88 : vector<16xi1>
      %jit3A_90 = arith.constant 0x7F800000 : f32
      %broadcast_in_dim3A_91 = vector.broadcast %jit3A_90 : f32 to vector<16xf32>
      %select_n3A_92 = arith.select %and3A_89, %get3A_73, %broadcast_in_dim3A_91 : vector<16xi1>, vector<16xf32>
      %add3A_93 = arith.addi %min3A_3, %mul3A_69 : i32
      %broadcast_in_dim3A_94 = vector.broadcast %add3A_93 : i32 to vector<16xi32>
      %add3A_95 = arith.addi %broadcast_in_dim3A_94, %iota3A : vector<16xi32>
      %slice3A_96 = vector.extract_strided_slice %get3A_71 {offsets = [0], sizes = [1], strides = [1]} : vector<16xi32> to vector<1xi32>
      %squeeze3A_97 = vector.extract %slice3A_96[0] : i32 from vector<1xi32>
      %slice3A_98 = vector.extract_strided_slice %get3A_71 {offsets = [15], sizes = [1], strides = [1]} : vector<16xi32> to vector<1xi32>
      %squeeze3A_99 = vector.extract %slice3A_98[0] : i32 from vector<1xi32>
      %eq3A_100 = arith.cmpi eq, %squeeze3A_97, %squeeze3A_99 : i32
      %eq3A_101 = arith.cmpi eq, %squeeze3A_97, %scan3A_59 : i32
      %and3A_102 = arith.andi %eq3A_100, %eq3A_101 : i1
      %convert_element_type3A = arith.extui %and3A_102 : i1 to i32
      %cond3A = arith.constant 0 : i32
      %cond3A_103 = arith.cmpi ne, %convert_element_type3A, %cond3A : i32
      %cond3A_104:3 = scf.if %cond3A_103 -> (i32, vector<16xf32>, vector<16xi32>) {
        %lt3A_147 = arith.cmpf olt, %select_n3A_92, %scan3A_60 : vector<16xf32>
        %min3A_148 = arith.minimumf %scan3A_60, %select_n3A_92 : vector<16xf32>
        %select_n3A_149 = arith.select %lt3A_147, %add3A_95, %scan3A_61 : vector<16xi1>, vector<16xi32>
        scf.yield %scan3A_59, %min3A_148, %select_n3A_149 : i32, vector<16xf32>, vector<16xi32>
      } else {
        %broadcast_in_dim3A_147 = vector.broadcast %scan3A_59 : i32 to vector<16xi32>
        %eq3A_148 = arith.cmpi eq, %get3A_71, %broadcast_in_dim3A_147 : vector<16xi32>
        %lt3A_149 = arith.cmpf olt, %select_n3A_92, %scan3A_60 : vector<16xf32>
        %and3A_150 = arith.andi %eq3A_148, %lt3A_149 : vector<16xi1>
        %select_n3A_151 = arith.select %and3A_150, %select_n3A_92, %scan3A_60 : vector<16xi1>, vector<16xf32>
        %select_n3A_152 = arith.select %and3A_150, %add3A_95, %scan3A_61 : vector<16xi1>, vector<16xi32>
        %reduce_min3A_153 = arith.constant true
        %reduce_min3A_154 = vector.broadcast %reduce_min3A_153 : i1 to vector<16xi1>
        %reduce_min3A_155 = tpu.scan <min>, %select_n3A_151 masked %reduce_min3A_154 : vector<16xf32>, vector<16xi1> -> vector<16xf32>
        %reduce_min3A_156 = vector.extract %reduce_min3A_155[15] : f32 from vector<16xf32>
        %broadcast_in_dim3A_157 = vector.broadcast %reduce_min3A_156 : f32 to vector<16xf32>
        %eq3A_158 = arith.cmpf oeq, %select_n3A_151, %broadcast_in_dim3A_157 : vector<16xf32>
        %jit3A_159 = arith.constant 100000 : i32
        %broadcast_in_dim3A_160 = vector.broadcast %jit3A_159 : i32 to vector<16xi32>
        %select_n3A_161 = arith.select %eq3A_158, %select_n3A_152, %broadcast_in_dim3A_160 : vector<16xi1>, vector<16xi32>
        %reduce_min3A_162 = arith.constant true
        %reduce_min3A_163 = vector.broadcast %reduce_min3A_162 : i1 to vector<16xi1>
        %reduce_min3A_164 = arith.constant -2147483648 : i32
        %reduce_min3A_165 = vector.broadcast %reduce_min3A_164 : i32 to vector<16xi32>
        %reduce_min3A_166 = arith.xori %select_n3A_161, %reduce_min3A_165 : vector<16xi32>
        %reduce_min3A_167 = tpu.scan <min>, %reduce_min3A_166 masked %reduce_min3A_163 : vector<16xi32>, vector<16xi1> -> vector<16xi32>
        %reduce_min3A_168 = arith.xori %reduce_min3A_167, %reduce_min3A_165 : vector<16xi32>
        %reduce_min3A_169 = vector.extract %reduce_min3A_168[15] : i32 from vector<16xi32>
        %broadcast_in_dim3A_170 = vector.broadcast %scan3A_59 : i32 to vector<16xi32>
        %lt3A_171 = arith.constant 0x7F800000 : f32
        %lt3A_172 = vector.broadcast %lt3A_171 : f32 to vector<16xf32>
        %lt3A_173 = arith.cmpf olt, %broadcast_in_dim3A_157, %lt3A_172 : vector<16xf32>
        %and3A_174 = arith.andi %eq3A_5, %lt3A_173 : vector<16xi1>
        tpu.vector_store_idx %arg10[%broadcast_in_dim3A_170], %broadcast_in_dim3A_157 masked %and3A_174 : memref<1024xf32, #tpu.memory_space<vmem>>[vector<16xi32>], vector<16xf32>, vector<16xi1>
        %broadcast_in_dim3A_175 = vector.broadcast %reduce_min3A_169 : i32 to vector<16xi32>
        tpu.vector_store_idx %arg11[%broadcast_in_dim3A_170], %broadcast_in_dim3A_175 masked %and3A_174 : memref<1024xi32, #tpu.memory_space<vmem>>[vector<16xi32>], vector<16xi32>, vector<16xi1>
        %not3A = arith.constant dense<true> : vector<16xi1>
        %not3A_176 = arith.xori %eq3A_148, %not3A : vector<16xi1>
        %while3A:4 = scf.while (%while3A_177 = %not3A_176, %while3A_178 = %scan3A_59, %while3A_179 = %select_n3A_151, %while3A_180 = %select_n3A_152) : (vector<16xi1>, i32, vector<16xf32>, vector<16xi32>) -> (vector<16xi1>, i32, vector<16xf32>, vector<16xi32>) {
          %reduce_or3A = arith.constant 1.000000e+00 : f32
          %reduce_or3A_181 = arith.constant 0.000000e+00 : f32
          %reduce_or3A_182 = vector.broadcast %reduce_or3A : f32 to vector<16xf32>
          %reduce_or3A_183 = vector.broadcast %reduce_or3A_181 : f32 to vector<16xf32>
          %reduce_or3A_184 = arith.select %while3A_177, %reduce_or3A_182, %reduce_or3A_183 : vector<16xi1>, vector<16xf32>
          %reduce_or3A_185 = arith.constant true
          %reduce_or3A_186 = vector.broadcast %reduce_or3A_185 : i1 to vector<16xi1>
          %reduce_or3A_187 = tpu.scan <max>, %reduce_or3A_184 masked %reduce_or3A_186 : vector<16xf32>, vector<16xi1> -> vector<16xf32>
          %reduce_or3A_188 = vector.extract %reduce_or3A_187[15] : f32 from vector<16xf32>
          %reduce_or3A_189 = arith.constant 0.000000e+00 : f32
          %reduce_or3A_190 = arith.cmpf ogt, %reduce_or3A_188, %reduce_or3A_189 : f32
          scf.condition(%reduce_or3A_190) %while3A_177, %while3A_178, %while3A_179, %while3A_180 : vector<16xi1>, i32, vector<16xf32>, vector<16xi32>
        } do {
        ^bb0(%while3A_177: vector<16xi1>, %while3A_178: i32, %while3A_179: vector<16xf32>, %while3A_180: vector<16xi32>):
          %jit3A_181 = arith.constant 2147483647 : i32
          %broadcast_in_dim3A_182 = vector.broadcast %jit3A_181 : i32 to vector<16xi32>
          %select_n3A_183 = arith.select %while3A_177, %get3A_71, %broadcast_in_dim3A_182 : vector<16xi1>, vector<16xi32>
          %reduce_min3A_184 = arith.constant true
          %reduce_min3A_185 = vector.broadcast %reduce_min3A_184 : i1 to vector<16xi1>
          %reduce_min3A_186 = arith.constant -2147483648 : i32
          %reduce_min3A_187 = vector.broadcast %reduce_min3A_186 : i32 to vector<16xi32>
          %reduce_min3A_188 = arith.xori %select_n3A_183, %reduce_min3A_187 : vector<16xi32>
          %reduce_min3A_189 = tpu.scan <min>, %reduce_min3A_188 masked %reduce_min3A_185 : vector<16xi32>, vector<16xi1> -> vector<16xi32>
          %reduce_min3A_190 = arith.xori %reduce_min3A_189, %reduce_min3A_187 : vector<16xi32>
          %reduce_min3A_191 = vector.extract %reduce_min3A_190[15] : i32 from vector<16xi32>
          %broadcast_in_dim3A_192 = vector.broadcast %reduce_min3A_191 : i32 to vector<16xi32>
          %eq3A_193 = arith.cmpi eq, %get3A_71, %broadcast_in_dim3A_192 : vector<16xi32>
          %jit3A_194 = arith.constant 0x7F800000 : f32
          %broadcast_in_dim3A_195 = vector.broadcast %jit3A_194 : f32 to vector<16xf32>
          %select_n3A_196 = arith.select %eq3A_193, %select_n3A_92, %broadcast_in_dim3A_195 : vector<16xi1>, vector<16xf32>
          %eq3A_197 = arith.cmpi eq, %reduce_min3A_191, %squeeze3A_99 : i32
          %convert_element_type3A_198 = arith.extui %eq3A_197 : i1 to i32
          %cond3A_199 = arith.constant 0 : i32
          %cond3A_200 = arith.cmpi ne, %convert_element_type3A_198, %cond3A_199 : i32
          %cond3A_201:3 = scf.if %cond3A_200 -> (i32, vector<16xf32>, vector<16xi32>) {
            scf.yield %reduce_min3A_191, %select_n3A_196, %add3A_95 : i32, vector<16xf32>, vector<16xi32>
          } else {
            %reduce_min3A_205 = arith.constant true
            %reduce_min3A_206 = vector.broadcast %reduce_min3A_205 : i1 to vector<16xi1>
            %reduce_min3A_207 = tpu.scan <min>, %select_n3A_196 masked %reduce_min3A_206 : vector<16xf32>, vector<16xi1> -> vector<16xf32>
            %reduce_min3A_208 = vector.extract %reduce_min3A_207[15] : f32 from vector<16xf32>
            %broadcast_in_dim3A_209 = vector.broadcast %reduce_min3A_208 : f32 to vector<16xf32>
            %eq3A_210 = arith.cmpf oeq, %select_n3A_196, %broadcast_in_dim3A_209 : vector<16xf32>
            %and3A_211 = arith.andi %eq3A_193, %eq3A_210 : vector<16xi1>
            %jit3A_212 = arith.constant 100000 : i32
            %broadcast_in_dim3A_213 = vector.broadcast %jit3A_212 : i32 to vector<16xi32>
            %select_n3A_214 = arith.select %and3A_211, %add3A_95, %broadcast_in_dim3A_213 : vector<16xi1>, vector<16xi32>
            %reduce_min3A_215 = arith.constant true
            %reduce_min3A_216 = vector.broadcast %reduce_min3A_215 : i1 to vector<16xi1>
            %reduce_min3A_217 = arith.constant -2147483648 : i32
            %reduce_min3A_218 = vector.broadcast %reduce_min3A_217 : i32 to vector<16xi32>
            %reduce_min3A_219 = arith.xori %select_n3A_214, %reduce_min3A_218 : vector<16xi32>
            %reduce_min3A_220 = tpu.scan <min>, %reduce_min3A_219 masked %reduce_min3A_216 : vector<16xi32>, vector<16xi1> -> vector<16xi32>
            %reduce_min3A_221 = arith.xori %reduce_min3A_220, %reduce_min3A_218 : vector<16xi32>
            %reduce_min3A_222 = vector.extract %reduce_min3A_221[15] : i32 from vector<16xi32>
            %lt3A_223 = arith.constant 0x7F800000 : f32
            %lt3A_224 = vector.broadcast %lt3A_223 : f32 to vector<16xf32>
            %lt3A_225 = arith.cmpf olt, %broadcast_in_dim3A_209, %lt3A_224 : vector<16xf32>
            %and3A_226 = arith.andi %eq3A_5, %lt3A_225 : vector<16xi1>
            tpu.vector_store_idx %arg10[%broadcast_in_dim3A_192], %broadcast_in_dim3A_209 masked %and3A_226 : memref<1024xf32, #tpu.memory_space<vmem>>[vector<16xi32>], vector<16xf32>, vector<16xi1>
            %broadcast_in_dim3A_227 = vector.broadcast %reduce_min3A_222 : i32 to vector<16xi32>
            tpu.vector_store_idx %arg11[%broadcast_in_dim3A_192], %broadcast_in_dim3A_227 masked %and3A_226 : memref<1024xi32, #tpu.memory_space<vmem>>[vector<16xi32>], vector<16xi32>, vector<16xi1>
            scf.yield %while3A_178, %while3A_179, %while3A_180 : i32, vector<16xf32>, vector<16xi32>
          }
          %not3A_202 = arith.constant dense<true> : vector<16xi1>
          %not3A_203 = arith.xori %eq3A_193, %not3A_202 : vector<16xi1>
          %and3A_204 = arith.andi %while3A_177, %not3A_203 : vector<16xi1>
          scf.yield %and3A_204, %cond3A_201#0, %cond3A_201#1, %cond3A_201#2 : vector<16xi1>, i32, vector<16xf32>, vector<16xi32>
        }
        scf.yield %while3A#1, %while3A#2, %while3A#3 : i32, vector<16xf32>, vector<16xi32>
      }
      %mul3A_105 = arith.constant 16 : i32
      %mul3A_106 = arith.muli %add3A_65, %mul3A_105 : i32
      %get3A_107 = arith.index_cast %mul3A_106 : i32 to index
      %get3A_108 = tpu.vector_load %arg9[%get3A_107] {strides = array<i32>} : memref<3200xi32, #tpu.memory_space<vmem>>, vector<16xi32>,
      %get3A_109 = arith.index_cast %mul3A_106 : i32 to index
      %get3A_110 = tpu.vector_load %arg8[%get3A_109] {strides = array<i32>} : memref<3200xf32, #tpu.memory_space<vmem>>, vector<16xf32>,
      %broadcast_in_dim3A_111 = vector.broadcast %mul3A_106 : i32 to vector<16xi32>
      %add3A_112 = arith.addi %broadcast_in_dim3A_111, %iota3A : vector<16xi32>
      %broadcast_in_dim3A_113 = arith.constant 3 : i32
      %broadcast_in_dim3A_114 = vector.broadcast %broadcast_in_dim3A_113 : i32 to vector<16xi32>
      %gather3A_115 = tpu.vector_load_idx %arg7[%add3A_112, %broadcast_in_dim3A_114] : memref<3200x8xf32, #tpu.memory_space<vmem>>[vector<16xi32>, vector<16xi32>], vector<16xf32>,
      %broadcast_in_dim3A_116 = arith.constant 4 : i32
      %broadcast_in_dim3A_117 = vector.broadcast %broadcast_in_dim3A_116 : i32 to vector<16xi32>
      %gather3A_118 = tpu.vector_load_idx %arg7[%add3A_112, %broadcast_in_dim3A_117] : memref<3200x8xf32, #tpu.memory_space<vmem>>[vector<16xi32>, vector<16xi32>], vector<16xf32>,
      %broadcast_in_dim3A_119 = arith.constant 5 : i32
      %broadcast_in_dim3A_120 = vector.broadcast %broadcast_in_dim3A_119 : i32 to vector<16xi32>
      %gather3A_121 = tpu.vector_load_idx %arg7[%add3A_112, %broadcast_in_dim3A_120] : memref<3200x8xf32, #tpu.memory_space<vmem>>[vector<16xi32>, vector<16xi32>], vector<16xf32>,
      %broadcast_in_dim3A_122 = arith.constant 6 : i32
      %broadcast_in_dim3A_123 = vector.broadcast %broadcast_in_dim3A_122 : i32 to vector<16xi32>
      %gather3A_124 = tpu.vector_load_idx %arg7[%add3A_112, %broadcast_in_dim3A_123] : memref<3200x8xf32, #tpu.memory_space<vmem>>[vector<16xi32>, vector<16xi32>], vector<16xf32>,
      %gt3A_125 = arith.cmpf ogt, %gather3A_118, %gather3A_115 : vector<16xf32>
      %ge3A_126 = arith.cmpf oge, %gather3A_118, %gather3A_121 : vector<16xf32>
      %and3A_127 = arith.andi %gt3A_125, %ge3A_126 : vector<16xi1>
      %ge3A_128 = arith.cmpf oge, %gather3A_118, %gather3A_124 : vector<16xf32>
      %and3A_129 = arith.andi %and3A_127, %ge3A_128 : vector<16xi1>
      %jit3A_130 = arith.constant 0x7F800000 : f32
      %broadcast_in_dim3A_131 = vector.broadcast %jit3A_130 : f32 to vector<16xf32>
      %select_n3A_132 = arith.select %and3A_129, %get3A_110, %broadcast_in_dim3A_131 : vector<16xi1>, vector<16xf32>
      %add3A_133 = arith.addi %min3A_3, %mul3A_106 : i32
      %broadcast_in_dim3A_134 = vector.broadcast %add3A_133 : i32 to vector<16xi32>
      %add3A_135 = arith.addi %broadcast_in_dim3A_134, %iota3A : vector<16xi32>
      %slice3A_136 = vector.extract_strided_slice %get3A_108 {offsets = [0], sizes = [1], strides = [1]} : vector<16xi32> to vector<1xi32>
      %squeeze3A_137 = vector.extract %slice3A_136[0] : i32 from vector<1xi32>
      %slice3A_138 = vector.extract_strided_slice %get3A_108 {offsets = [15], sizes = [1], strides = [1]} : vector<16xi32> to vector<1xi32>
      %squeeze3A_139 = vector.extract %slice3A_138[0] : i32 from vector<1xi32>
      %eq3A_140 = arith.cmpi eq, %squeeze3A_137, %squeeze3A_139 : i32
      %eq3A_141 = arith.cmpi eq, %squeeze3A_137, %cond3A_104#0 : i32
      %and3A_142 = arith.andi %eq3A_140, %eq3A_141 : i1
      %convert_element_type3A_143 = arith.extui %and3A_142 : i1 to i32
      %cond3A_144 = arith.constant 0 : i32
      %cond3A_145 = arith.cmpi ne, %convert_element_type3A_143, %cond3A_144 : i32
      %cond3A_146:3 = scf.if %cond3A_145 -> (i32, vector<16xf32>, vector<16xi32>) {
        %lt3A_147 = arith.cmpf olt, %select_n3A_132, %cond3A_104#1 : vector<16xf32>
        %min3A_148 = arith.minimumf %cond3A_104#1, %select_n3A_132 : vector<16xf32>
        %select_n3A_149 = arith.select %lt3A_147, %add3A_135, %cond3A_104#2 : vector<16xi1>, vector<16xi32>
        scf.yield %cond3A_104#0, %min3A_148, %select_n3A_149 : i32, vector<16xf32>, vector<16xi32>
      } else {
        %broadcast_in_dim3A_147 = vector.broadcast %cond3A_104#0 : i32 to vector<16xi32>
        %eq3A_148 = arith.cmpi eq, %get3A_108, %broadcast_in_dim3A_147 : vector<16xi32>
        %lt3A_149 = arith.cmpf olt, %select_n3A_132, %cond3A_104#1 : vector<16xf32>
        %and3A_150 = arith.andi %eq3A_148, %lt3A_149 : vector<16xi1>
        %select_n3A_151 = arith.select %and3A_150, %select_n3A_132, %cond3A_104#1 : vector<16xi1>, vector<16xf32>
        %select_n3A_152 = arith.select %and3A_150, %add3A_135, %cond3A_104#2 : vector<16xi1>, vector<16xi32>
        %reduce_min3A_153 = arith.constant true
        %reduce_min3A_154 = vector.broadcast %reduce_min3A_153 : i1 to vector<16xi1>
        %reduce_min3A_155 = tpu.scan <min>, %select_n3A_151 masked %reduce_min3A_154 : vector<16xf32>, vector<16xi1> -> vector<16xf32>
        %reduce_min3A_156 = vector.extract %reduce_min3A_155[15] : f32 from vector<16xf32>
        %broadcast_in_dim3A_157 = vector.broadcast %reduce_min3A_156 : f32 to vector<16xf32>
        %eq3A_158 = arith.cmpf oeq, %select_n3A_151, %broadcast_in_dim3A_157 : vector<16xf32>
        %jit3A_159 = arith.constant 100000 : i32
        %broadcast_in_dim3A_160 = vector.broadcast %jit3A_159 : i32 to vector<16xi32>
        %select_n3A_161 = arith.select %eq3A_158, %select_n3A_152, %broadcast_in_dim3A_160 : vector<16xi1>, vector<16xi32>
        %reduce_min3A_162 = arith.constant true
        %reduce_min3A_163 = vector.broadcast %reduce_min3A_162 : i1 to vector<16xi1>
        %reduce_min3A_164 = arith.constant -2147483648 : i32
        %reduce_min3A_165 = vector.broadcast %reduce_min3A_164 : i32 to vector<16xi32>
        %reduce_min3A_166 = arith.xori %select_n3A_161, %reduce_min3A_165 : vector<16xi32>
        %reduce_min3A_167 = tpu.scan <min>, %reduce_min3A_166 masked %reduce_min3A_163 : vector<16xi32>, vector<16xi1> -> vector<16xi32>
        %reduce_min3A_168 = arith.xori %reduce_min3A_167, %reduce_min3A_165 : vector<16xi32>
        %reduce_min3A_169 = vector.extract %reduce_min3A_168[15] : i32 from vector<16xi32>
        %broadcast_in_dim3A_170 = vector.broadcast %cond3A_104#0 : i32 to vector<16xi32>
        %lt3A_171 = arith.constant 0x7F800000 : f32
        %lt3A_172 = vector.broadcast %lt3A_171 : f32 to vector<16xf32>
        %lt3A_173 = arith.cmpf olt, %broadcast_in_dim3A_157, %lt3A_172 : vector<16xf32>
        %and3A_174 = arith.andi %eq3A_5, %lt3A_173 : vector<16xi1>
        tpu.vector_store_idx %arg10[%broadcast_in_dim3A_170], %broadcast_in_dim3A_157 masked %and3A_174 : memref<1024xf32, #tpu.memory_space<vmem>>[vector<16xi32>], vector<16xf32>, vector<16xi1>
        %broadcast_in_dim3A_175 = vector.broadcast %reduce_min3A_169 : i32 to vector<16xi32>
        tpu.vector_store_idx %arg11[%broadcast_in_dim3A_170], %broadcast_in_dim3A_175 masked %and3A_174 : memref<1024xi32, #tpu.memory_space<vmem>>[vector<16xi32>], vector<16xi32>, vector<16xi1>
        %not3A = arith.constant dense<true> : vector<16xi1>
        %not3A_176 = arith.xori %eq3A_148, %not3A : vector<16xi1>
        %while3A:4 = scf.while (%while3A_177 = %not3A_176, %while3A_178 = %cond3A_104#0, %while3A_179 = %select_n3A_151, %while3A_180 = %select_n3A_152) : (vector<16xi1>, i32, vector<16xf32>, vector<16xi32>) -> (vector<16xi1>, i32, vector<16xf32>, vector<16xi32>) {
          %reduce_or3A = arith.constant 1.000000e+00 : f32
          %reduce_or3A_181 = arith.constant 0.000000e+00 : f32
          %reduce_or3A_182 = vector.broadcast %reduce_or3A : f32 to vector<16xf32>
          %reduce_or3A_183 = vector.broadcast %reduce_or3A_181 : f32 to vector<16xf32>
          %reduce_or3A_184 = arith.select %while3A_177, %reduce_or3A_182, %reduce_or3A_183 : vector<16xi1>, vector<16xf32>
          %reduce_or3A_185 = arith.constant true
          %reduce_or3A_186 = vector.broadcast %reduce_or3A_185 : i1 to vector<16xi1>
          %reduce_or3A_187 = tpu.scan <max>, %reduce_or3A_184 masked %reduce_or3A_186 : vector<16xf32>, vector<16xi1> -> vector<16xf32>
          %reduce_or3A_188 = vector.extract %reduce_or3A_187[15] : f32 from vector<16xf32>
          %reduce_or3A_189 = arith.constant 0.000000e+00 : f32
          %reduce_or3A_190 = arith.cmpf ogt, %reduce_or3A_188, %reduce_or3A_189 : f32
          scf.condition(%reduce_or3A_190) %while3A_177, %while3A_178, %while3A_179, %while3A_180 : vector<16xi1>, i32, vector<16xf32>, vector<16xi32>
        } do {
        ^bb0(%while3A_177: vector<16xi1>, %while3A_178: i32, %while3A_179: vector<16xf32>, %while3A_180: vector<16xi32>):
          %jit3A_181 = arith.constant 2147483647 : i32
          %broadcast_in_dim3A_182 = vector.broadcast %jit3A_181 : i32 to vector<16xi32>
          %select_n3A_183 = arith.select %while3A_177, %get3A_108, %broadcast_in_dim3A_182 : vector<16xi1>, vector<16xi32>
          %reduce_min3A_184 = arith.constant true
          %reduce_min3A_185 = vector.broadcast %reduce_min3A_184 : i1 to vector<16xi1>
          %reduce_min3A_186 = arith.constant -2147483648 : i32
          %reduce_min3A_187 = vector.broadcast %reduce_min3A_186 : i32 to vector<16xi32>
          %reduce_min3A_188 = arith.xori %select_n3A_183, %reduce_min3A_187 : vector<16xi32>
          %reduce_min3A_189 = tpu.scan <min>, %reduce_min3A_188 masked %reduce_min3A_185 : vector<16xi32>, vector<16xi1> -> vector<16xi32>
          %reduce_min3A_190 = arith.xori %reduce_min3A_189, %reduce_min3A_187 : vector<16xi32>
          %reduce_min3A_191 = vector.extract %reduce_min3A_190[15] : i32 from vector<16xi32>
          %broadcast_in_dim3A_192 = vector.broadcast %reduce_min3A_191 : i32 to vector<16xi32>
          %eq3A_193 = arith.cmpi eq, %get3A_108, %broadcast_in_dim3A_192 : vector<16xi32>
          %jit3A_194 = arith.constant 0x7F800000 : f32
          %broadcast_in_dim3A_195 = vector.broadcast %jit3A_194 : f32 to vector<16xf32>
          %select_n3A_196 = arith.select %eq3A_193, %select_n3A_132, %broadcast_in_dim3A_195 : vector<16xi1>, vector<16xf32>
          %eq3A_197 = arith.cmpi eq, %reduce_min3A_191, %squeeze3A_139 : i32
          %convert_element_type3A_198 = arith.extui %eq3A_197 : i1 to i32
          %cond3A_199 = arith.constant 0 : i32
          %cond3A_200 = arith.cmpi ne, %convert_element_type3A_198, %cond3A_199 : i32
          %cond3A_201:3 = scf.if %cond3A_200 -> (i32, vector<16xf32>, vector<16xi32>) {
            scf.yield %reduce_min3A_191, %select_n3A_196, %add3A_135 : i32, vector<16xf32>, vector<16xi32>
          } else {
            %reduce_min3A_205 = arith.constant true
            %reduce_min3A_206 = vector.broadcast %reduce_min3A_205 : i1 to vector<16xi1>
            %reduce_min3A_207 = tpu.scan <min>, %select_n3A_196 masked %reduce_min3A_206 : vector<16xf32>, vector<16xi1> -> vector<16xf32>
            %reduce_min3A_208 = vector.extract %reduce_min3A_207[15] : f32 from vector<16xf32>
            %broadcast_in_dim3A_209 = vector.broadcast %reduce_min3A_208 : f32 to vector<16xf32>
            %eq3A_210 = arith.cmpf oeq, %select_n3A_196, %broadcast_in_dim3A_209 : vector<16xf32>
            %and3A_211 = arith.andi %eq3A_193, %eq3A_210 : vector<16xi1>
            %jit3A_212 = arith.constant 100000 : i32
            %broadcast_in_dim3A_213 = vector.broadcast %jit3A_212 : i32 to vector<16xi32>
            %select_n3A_214 = arith.select %and3A_211, %add3A_135, %broadcast_in_dim3A_213 : vector<16xi1>, vector<16xi32>
            %reduce_min3A_215 = arith.constant true
            %reduce_min3A_216 = vector.broadcast %reduce_min3A_215 : i1 to vector<16xi1>
            %reduce_min3A_217 = arith.constant -2147483648 : i32
            %reduce_min3A_218 = vector.broadcast %reduce_min3A_217 : i32 to vector<16xi32>
            %reduce_min3A_219 = arith.xori %select_n3A_214, %reduce_min3A_218 : vector<16xi32>
            %reduce_min3A_220 = tpu.scan <min>, %reduce_min3A_219 masked %reduce_min3A_216 : vector<16xi32>, vector<16xi1> -> vector<16xi32>
            %reduce_min3A_221 = arith.xori %reduce_min3A_220, %reduce_min3A_218 : vector<16xi32>
            %reduce_min3A_222 = vector.extract %reduce_min3A_221[15] : i32 from vector<16xi32>
            %lt3A_223 = arith.constant 0x7F800000 : f32
            %lt3A_224 = vector.broadcast %lt3A_223 : f32 to vector<16xf32>
            %lt3A_225 = arith.cmpf olt, %broadcast_in_dim3A_209, %lt3A_224 : vector<16xf32>
            %and3A_226 = arith.andi %eq3A_5, %lt3A_225 : vector<16xi1>
            tpu.vector_store_idx %arg10[%broadcast_in_dim3A_192], %broadcast_in_dim3A_209 masked %and3A_226 : memref<1024xf32, #tpu.memory_space<vmem>>[vector<16xi32>], vector<16xf32>, vector<16xi1>
            %broadcast_in_dim3A_227 = vector.broadcast %reduce_min3A_222 : i32 to vector<16xi32>
            tpu.vector_store_idx %arg11[%broadcast_in_dim3A_192], %broadcast_in_dim3A_227 masked %and3A_226 : memref<1024xi32, #tpu.memory_space<vmem>>[vector<16xi32>], vector<16xi32>, vector<16xi1>
            scf.yield %while3A_178, %while3A_179, %while3A_180 : i32, vector<16xf32>, vector<16xi32>
          }
          %not3A_202 = arith.constant dense<true> : vector<16xi1>
          %not3A_203 = arith.xori %eq3A_193, %not3A_202 : vector<16xi1>
          %and3A_204 = arith.andi %while3A_177, %not3A_203 : vector<16xi1>
          scf.yield %and3A_204, %cond3A_201#0, %cond3A_201#1, %cond3A_201#2 : vector<16xi1>, i32, vector<16xf32>, vector<16xi32>
        }
        scf.yield %while3A#1, %while3A#2, %while3A#3 : i32, vector<16xf32>, vector<16xi32>
      }
      scf.yield %cond3A_146#0, %cond3A_146#1, %cond3A_146#2 : i32, vector<16xf32>, vector<16xi32>
    }
    %scan3A_39 = arith.constant 100 : i32
    %reduce_min3A = arith.constant true
    %reduce_min3A_40 = vector.broadcast %reduce_min3A : i1 to vector<16xi1>
    %reduce_min3A_41 = tpu.scan <min>, %scan3A_38#1 masked %reduce_min3A_40 : vector<16xf32>, vector<16xi1> -> vector<16xf32>
    %reduce_min3A_42 = vector.extract %reduce_min3A_41[15] : f32 from vector<16xf32>
    %broadcast_in_dim3A_43 = vector.broadcast %reduce_min3A_42 : f32 to vector<16xf32>
    %eq3A_44 = arith.cmpf oeq, %scan3A_38#1, %broadcast_in_dim3A_43 : vector<16xf32>
    %jit3A = arith.constant 100000 : i32
    %broadcast_in_dim3A_45 = vector.broadcast %jit3A : i32 to vector<16xi32>
    %select_n3A = arith.select %eq3A_44, %scan3A_38#2, %broadcast_in_dim3A_45 : vector<16xi1>, vector<16xi32>
    %reduce_min3A_46 = arith.constant true
    %reduce_min3A_47 = vector.broadcast %reduce_min3A_46 : i1 to vector<16xi1>
    %reduce_min3A_48 = arith.constant -2147483648 : i32
    %reduce_min3A_49 = vector.broadcast %reduce_min3A_48 : i32 to vector<16xi32>
    %reduce_min3A_50 = arith.xori %select_n3A, %reduce_min3A_49 : vector<16xi32>
    %reduce_min3A_51 = tpu.scan <min>, %reduce_min3A_50 masked %reduce_min3A_47 : vector<16xi32>, vector<16xi1> -> vector<16xi32>
    %reduce_min3A_52 = arith.xori %reduce_min3A_51, %reduce_min3A_49 : vector<16xi32>
    %reduce_min3A_53 = vector.extract %reduce_min3A_52[15] : i32 from vector<16xi32>
    %broadcast_in_dim3A_54 = vector.broadcast %scan3A_38#0 : i32 to vector<16xi32>
    %lt3A = arith.constant 0x7F800000 : f32
    %lt3A_55 = vector.broadcast %lt3A : f32 to vector<16xf32>
    %lt3A_56 = arith.cmpf olt, %broadcast_in_dim3A_43, %lt3A_55 : vector<16xf32>
    %and3A = arith.andi %eq3A_5, %lt3A_56 : vector<16xi1>
    tpu.vector_store_idx %arg10[%broadcast_in_dim3A_54], %broadcast_in_dim3A_43 masked %and3A : memref<1024xf32, #tpu.memory_space<vmem>>[vector<16xi32>], vector<16xf32>, vector<16xi1>
    %broadcast_in_dim3A_57 = vector.broadcast %reduce_min3A_53 : i32 to vector<16xi32>
    tpu.vector_store_idx %arg11[%broadcast_in_dim3A_54], %broadcast_in_dim3A_57 masked %and3A : memref<1024xi32, #tpu.memory_space<vmem>>[vector<16xi32>], vector<16xi32>, vector<16xi1>
    "tpu.region"() ({
      %run_scoped3A = tpu.sem_alloc : memref<!tpu.dma_semaphore, #tpu.memory_space<semaphore_mem>>
      %dma_start3A_58 = arith.constant 0 : i32
      %dma_start3A_59 = tpu.memref_slice %arg5[%add3A, %dma_start3A_58] : memref<32x1024xf32, #tpu.memory_space<hbm>> -> memref<1x1024xf32, #tpu.memory_space<hbm>>
      %dma_start3A_60 = tpu.memref_squeeze %dma_start3A_59 : memref<1x1024xf32, #tpu.memory_space<hbm>> -> memref<1024xf32, #tpu.memory_space<hbm>>
      %dma_start3A_61 = arith.constant 0 : i32
      %dma_start3A_62 = tpu.memref_slice %arg5[%add3A, %dma_start3A_61] : memref<32x1024xf32, #tpu.memory_space<hbm>> -> memref<1x1024xf32, #tpu.memory_space<hbm>>
      %dma_start3A_63 = tpu.memref_squeeze %dma_start3A_62 : memref<1x1024xf32, #tpu.memory_space<hbm>> -> memref<1024xf32, #tpu.memory_space<hbm>>
      tpu.enqueue_dma source(%arg10 : memref<1024xf32, #tpu.memory_space<vmem>>) target(%dma_start3A_63 : memref<1024xf32, #tpu.memory_space<hbm>>) target_semaphore(%run_scoped3A : memref<!tpu.dma_semaphore, #tpu.memory_space<semaphore_mem>>)
      %dma_wait3A_64 = arith.constant 0 : i32
      %dma_wait3A_65 = tpu.memref_slice %arg5[%add3A, %dma_wait3A_64] : memref<32x1024xf32, #tpu.memory_space<hbm>> -> memref<1x1024xf32, #tpu.memory_space<hbm>>
      %dma_wait3A_66 = tpu.memref_squeeze %dma_wait3A_65 : memref<1x1024xf32, #tpu.memory_space<hbm>> -> memref<1024xf32, #tpu.memory_space<hbm>>
      %dma_wait3A_67 = arith.constant 0 : i32
      %dma_wait3A_68 = tpu.memref_slice %arg5[%add3A, %dma_wait3A_67] : memref<32x1024xf32, #tpu.memory_space<hbm>> -> memref<1x1024xf32, #tpu.memory_space<hbm>>
      %dma_wait3A_69 = tpu.memref_squeeze %dma_wait3A_68 : memref<1x1024xf32, #tpu.memory_space<hbm>> -> memref<1024xf32, #tpu.memory_space<hbm>>
      tpu.wait_dma2 semaphore(%run_scoped3A : memref<!tpu.dma_semaphore, #tpu.memory_space<semaphore_mem>>) src(%arg10 : memref<1024xf32, #tpu.memory_space<vmem>>) dst(%dma_wait3A_69 : memref<1024xf32, #tpu.memory_space<hbm>>)
      tpu.yield
    }) : () -> ()
    "tpu.region"() ({
      %run_scoped3A = tpu.sem_alloc : memref<!tpu.dma_semaphore, #tpu.memory_space<semaphore_mem>>
      %dma_start3A_58 = arith.constant 0 : i32
      %dma_start3A_59 = tpu.memref_slice %arg6[%add3A, %dma_start3A_58] : memref<32x1024xi32, #tpu.memory_space<hbm>> -> memref<1x1024xi32, #tpu.memory_space<hbm>>
      %dma_start3A_60 = tpu.memref_squeeze %dma_start3A_59 : memref<1x1024xi32, #tpu.memory_space<hbm>> -> memref<1024xi32, #tpu.memory_space<hbm>>
      %dma_start3A_61 = arith.constant 0 : i32
      %dma_start3A_62 = tpu.memref_slice %arg6[%add3A, %dma_start3A_61] : memref<32x1024xi32, #tpu.memory_space<hbm>> -> memref<1x1024xi32, #tpu.memory_space<hbm>>
      %dma_start3A_63 = tpu.memref_squeeze %dma_start3A_62 : memref<1x1024xi32, #tpu.memory_space<hbm>> -> memref<1024xi32, #tpu.memory_space<hbm>>
      tpu.enqueue_dma source(%arg11 : memref<1024xi32, #tpu.memory_space<vmem>>) target(%dma_start3A_63 : memref<1024xi32, #tpu.memory_space<hbm>>) target_semaphore(%run_scoped3A : memref<!tpu.dma_semaphore, #tpu.memory_space<semaphore_mem>>)
      %dma_wait3A_64 = arith.constant 0 : i32
      %dma_wait3A_65 = tpu.memref_slice %arg6[%add3A, %dma_wait3A_64] : memref<32x1024xi32, #tpu.memory_space<hbm>> -> memref<1x1024xi32, #tpu.memory_space<hbm>>
      %dma_wait3A_66 = tpu.memref_squeeze %dma_wait3A_65 : memref<1x1024xi32, #tpu.memory_space<hbm>> -> memref<1024xi32, #tpu.memory_space<hbm>>
      %dma_wait3A_67 = arith.constant 0 : i32
      %dma_wait3A_68 = tpu.memref_slice %arg6[%add3A, %dma_wait3A_67] : memref<32x1024xi32, #tpu.memory_space<hbm>> -> memref<1x1024xi32, #tpu.memory_space<hbm>>
      %dma_wait3A_69 = tpu.memref_squeeze %dma_wait3A_68 : memref<1x1024xi32, #tpu.memory_space<hbm>> -> memref<1024xi32, #tpu.memory_space<hbm>>
      tpu.wait_dma2 semaphore(%run_scoped3A : memref<!tpu.dma_semaphore, #tpu.memory_space<semaphore_mem>>) src(%arg11 : memref<1024xi32, #tpu.memory_space<vmem>>) dst(%dma_wait3A_69 : memref<1024xi32, #tpu.memory_space<hbm>>)
      tpu.yield
    }) : () -> ()
    return
  }
}

</mosaic_0001>

<sc_bundles>
// kernel: kernel.4.cloned.1.call-start
scs
__scs_entry_jumppad:
0x0: {  	(pc) =	sbr.rel $0x88, $3  }
0x1: {  	(tag) =	ssettag $0x0;
	lr =	simm.s32 $0x1  }
0x2: {  	[smem:$0x3F9D] =	sst lr;
	_ =	strace $0xD0000000  }
0x3: {  	_ = 	snop  }
0x4: {  	_ = 	snop  }
0x5: {  	_ = 	snop  }
0x6: {  	_ = 	snop  }
0x7: {  	_ = 	snop  }
__scs_overlays_trampoline_lowered:
0x8: {  	[smem:$0x3FAC] =	sst s0  }
0x9: {  	[smem:$0x3FAD] =	sst s1  }
0xa: {  	[smem:$0x3FAE] =	sst s2  }
0xb: {  	[smem:$0x3FAF] =	sst s3  }
0xc: {  	[smem:$0x3FB0] =	sst s4  }
0xd: {  	[smem:$0x3FB1] =	sst s5  }
0xe: {  	[smem:$0x3FB2] =	sst s6  }
0xf: {  	[smem:$0x3FB3] =	sst s7  }
0x10: {  	[smem:$0x3FB4] =	sst s8  }
0x11: {  	[smem:$0x3FB5] =	sst s9;
	s0 =	simm.s32 @!p0 $0x0  }
0x12: {  	s1 =	sld [smem:$0x3F9B];
	s0 =	simm.s32 @p0 $0x1  }
0x13: {  	[smem:$0x3FB6] =	sst s0;
	s0 =	simm.s32 @!p1 $0x0  }
0x14: {  	s2 =	sld [smem:$0x3F9A];
	s0 =	simm.s32 @p1 $0x1  }
0x15: {  	[smem:$0x3FB7] =	sst s0;
	s0 =	simm.s32 @!p2 $0x0  }
0x16: {  	s3 =	sld [smem:$0x3FDB];
	s0 =	simm.s32 @p2 $0x1  }
0x17: {  	s4 =	simm.s32 $0x1BF5;
	[smem:$0x3FB9] =	sst s0  }
0x18: {  	s0 =	sld [smem:$0x3F9C];
	_ =	swait.ge [sflag:s4], $0x0  }
0x19: {  	s7 =	sld [smem:$0x3F9D]  }
0x1a: {  	s8 =	sadd.s32 $0xFFFFE003, lr  }
0x1b: {  	s9 =	sadd.s32 $0xFFFFFEF7, lr;
	s5 =	simm.s32 $0xFFFFFFFF;
	p2 =	slt.u32 s8, $0xFFFFF086  }
0x1c: {  	p1 =	slt.u32 s9, $0xF7A;
	s5 =	simm.s32 @!p2 $0x0  }
0x1d: {  	s5 =	simm.s32 @p1 $0x1;
	p0 =	seq.s32 s7, s2  }
0x1e: {  	s7 =	smul.u32 @!p0 $0xF7A, s2;
	p2 =	seq.s32 @!p0 s5, $0x0  }
0x1f: {  	s9 =	smul.u32 $0xF7A, s1;
	s8 =	simm.s32 @!p0 $0x1BF5;
	p2 =	por !p2, p0  }
0x20: {  	[sflag:s8] =	ssyncset.s32 @!p0 $0xFFFFF086;
	s6 =	sadd.s32 @!p0 s3, s7;
	s7 =	simm.s32 @!p0 $0x108  }
0x21: {  	s3 =	sadd.s32 s3, s9;
	s6 =	sadd.s32 @!p0 $0x88, s6;
	s7 =	simm.s32 @p2 $0x1082  }
0x22: {  	[simem:s7], [sflag:s8] =	dma.local @!p0 [hbm:s6], $0xF7A  }
0x23: {  	s9 =	sor.u32 $0xD0000000, s2;
	s6 =	simm.s32 $0x108;
	_ =	swait.ge @!p0 [sflag:s8], $0x0  }
0x24: {  	s3 =	sadd.s32 $0x88, s3;
	s6 =	simm.s32 @!p1 $0x1082;
	[sflag:s4] =	ssyncset.s32 $0xFFFFF086  }
0x25: {  	[simem:s6], [sflag:s4] =	dma.local [hbm:s3], $0xF7A  }
0x26: {  	[smem:$0x3F9D] =	sst s1;
	(tag) =	ssettag s2;
	_ =	strace s9  }
0x27: {  	s1 =	sld [smem:$0x3FAD]  }
0x28: {  	s2 =	sld [smem:$0x3FAE]  }
0x29: {  	s4 =	sld [smem:$0x3FB0]  }
0x2a: {  	p0 =	seq.s32 s5, $0x0;
	s5 =	sld [smem:$0x3FB1]  }
0x2b: {  	s6 =	sld [smem:$0x3FB2]  }
0x2c: {  	s7 =	sld [smem:$0x3FB3]  }
0x2d: {  	s3 =	simm.s32 $0x108;
	s8 =	sld [smem:$0x3FB4]  }
0x2e: {  	s3 =	simm.s32 @!p0 $0x1082;
	s9 =	sld [smem:$0x3FB5]  }
0x2f: {  	lr =	sadd.s32 s0, s3;
	s0 =	sld [smem:$0x3FAC]  }
0x30: {  	s3 =	sld [smem:$0x3FAF]  }
0x31: {  	[smem:$0x3FB8] =	sst s10  }
0x32: {  	s10 =	sld [smem:$0x3FB6];
	_ =	sdelay $0x3  }
0x33: {  	p0 =	seq.s32 s10, $0x1;
	s10 =	sld [smem:$0x3FB8];
	_ =	sdelay $0x3  }
0x34: {  	[smem:$0x3FB8] =	sst s10  }
0x35: {  	s10 =	sld [smem:$0x3FB7];
	_ =	sdelay $0x3  }
0x36: {  	p1 =	seq.s32 s10, $0x1;
	s10 =	sld [smem:$0x3FB8];
	_ =	sdelay $0x3  }
0x37: {  	[smem:$0x3FB8] =	sst s10  }
0x38: {  	s10 =	sld [smem:$0x3FB9]  }
0x39: {  	_ = 	snop;
	(pc) =	sbr.ind lr, $3  }
0x3a: {  	_ = 	snop  }
0x3b: {  	_ = 	snop  }
0x3c: {  	p2 =	seq.s32 s10, $0x1;
	s10 =	sld [smem:$0x3FB8]  }
0x3d: {  	_ =	shalt  }
0x3e: {  	_ =	shalt  }
0x3f: {  	_ =	shalt  }
0x40: {  	_ =	shalt  }
0x41: {  	_ =	shalt  }
0x42: {  	_ =	shalt  }
0x43: {  	_ =	shalt  }
0x44: {  	_ =	shalt  }
0x45: {  	_ =	shalt  }
0x46: {  	_ =	shalt  }
0x47: {  	_ =	shalt  }
0x48: {  	_ =	shalt  }
0x49: {  	_ =	shalt  }
0x4a: {  	_ =	shalt  }
0x4b: {  	_ =	shalt  }
0x4c: {  	_ =	shalt  }
0x4d: {  	_ =	shalt  }
0x4e: {  	_ =	shalt  }
0x4f: {  	_ =	shalt  }
0x50: {  	_ =	shalt  }
0x51: {  	_ =	shalt  }
0x52: {  	_ =	shalt  }
0x53: {  	_ =	shalt  }
0x54: {  	_ =	shalt  }
0x55: {  	_ =	shalt  }
0x56: {  	_ =	shalt  }
0x57: {  	_ =	shalt  }
0x58: {  	_ =	shalt  }
0x59: {  	_ =	shalt  }
0x5a: {  	_ =	shalt  }
0x5b: {  	_ =	shalt  }
0x5c: {  	_ =	shalt  }
0x5d: {  	_ =	shalt  }
0x5e: {  	_ =	shalt  }
0x5f: {  	_ =	shalt  }
0x60: {  	_ =	shalt  }
0x61: {  	_ =	shalt  }
0x62: {  	_ =	shalt  }
0x63: {  	_ =	shalt  }
0x64: {  	_ =	shalt  }
0x65: {  	_ =	shalt  }
0x66: {  	_ =	shalt  }
0x67: {  	_ =	shalt  }
0x68: {  	_ =	shalt  }
0x69: {  	_ =	shalt  }
0x6a: {  	_ =	shalt  }
0x6b: {  	_ =	shalt  }
0x6c: {  	_ =	shalt  }
0x6d: {  	_ =	shalt  }
0x6e: {  	_ =	shalt  }
0x6f: {  	_ =	shalt  }
0x70: {  	_ =	shalt  }
0x71: {  	_ =	shalt  }
0x72: {  	_ =	shalt  }
0x73: {  	_ =	shalt  }
0x74: {  	_ =	shalt  }
0x75: {  	_ =	shalt  }
0x76: {  	_ =	shalt  }
0x77: {  	_ =	shalt  }
0x78: {  	_ =	shalt  }
0x79: {  	_ =	shalt  }
0x7a: {  	_ =	shalt  }
0x7b: {  	_ =	shalt  }
0x7c: {  	_ =	shalt  }
0x7d: {  	_ =	shalt  }
0x7e: {  	_ =	shalt  }
0x7f: {  	_ =	shalt  }
0x80: {  	_ =	shalt  }
0x81: {  	_ =	shalt  }
0x82: {  	_ =	shalt  }
0x83: {  	_ =	shalt  }
0x84: {  	_ =	shalt  }
0x85: {  	_ =	shalt  }
0x86: {  	_ =	shalt  }
0x87: {  	_ =	shalt  }
.Lfunc_end0:
.L_simem_size_0:
called_computation_lowered:
.L_overlay_start_0:
0x88: {  	s2 =	sld [smem:$0x3FD9]  }
0x89: {  	s3 =	sld [smem:$0x3FFE];
	_ =	sdelay $0x1  }
0x8a: {  	s1 =	srdreg.scid  }
0x8b: {  	s0 =	sand.u32 $0x1, s1  }
0x8c: {  	s17 =	sshll.u32 s0, $0xA;
	s2 =	sadd.s32 s3, s2  }
0x8d: {  	s2 =	sadd.s32 s2, s17  }
0x8e: {  	[smem:$0x3FC4] =	sst s2  }
0x8f: {  	_ = 	snop  }
0x90: {  	s2 =	sld [smem:$0x3FC9]  }
0x91: {  	s18 =	sld [smem:$0x3FC7]  }
0x92: {  	s4 =	sld [smem:$0x3FC6];
	(tm) =	ssettm $0x1  }
0x93: {  	s5 =	sld [smem:$0x3FFB];
	_ =	sdelay $0x3  }
0x94: {  	_ =	strace s5  }
0x95: {  	s5 =	sld [smem:$0x3FFC];
	_ =	sdelay $0x3  }
0x96: {  	_ =	strace s5  }
0x97: {  	s5 =	sld [smem:$0x3FFD];
	_ =	sdelay $0x3  }
0x98: {  	_ =	strace s5  }
0x99: {  	_ =	strace $0x8FFFFFFF  }
0x9a: {  	s19 =	sld [smem:$0x3FDB];
	_ =	sdelay $0x1  }
0x9b: {  	s6 =	simm.s32 $_scs_section_size  }
0x9c: {  	s7 =	simm.s32 $_size__tile_overlayer_lowered;
	s8 =	simm.s32 $_tile_overlayer_lowered  }
0x9d: {  	s22 =	simm.s32 $0x1BFF;
	s21 =	sshll.u32 s8, $0x1;
	s5 =	sadd.s32 s6, s19  }
0x9e: {  	s9 =	simm.s32 $0x0;
	s20 =	sshll.u32 s7, $0x1;
	s7 =	sadd.s32 s21, s5  }
0x9f: {  	[timem:s9], [sflag:s22] =	dma.local [hbm:s7], s20  }
0xa0: {  	_ =	swait.ge [sflag:s22], s20  }
0xa1: {  	s6 =	ssub.s32 $0x0, s20;
	[sflag:s22] =	ssyncset.done $0x0  }
0xa2: {  	[sflag:s22] =	ssyncadd.s32 s6;
	_ =	sdelay $0x1  }
0xa3: {  	s23 =	simm.s32 $0x1B8B  }
0xa4: {  	_ =	swait.ge [sflag:s23], $0x1  }
0xa5: {  	[sflag:s23] =	ssyncset.done $0x0  }
0xa6: {  	s25 =	simm.s32 $0x1B8E;
	s24 =	sld [smem:$0x3FFE];
	[sflag:s23] =	ssyncadd.s32 $0xFFFFFFFF  }
0xa7: {  	s26 =	simm.s32 $execute0_lowered;
	[smem:$0x3FD2] =	sst s25  }
0xa8: {  	s7 =	sshll.u32 s26, $0x1;
	_ =	strace $0x80000046;
	[dreg:$0x1] =	wrdreg $0xFFFFFFFF  }
0xa9: {  	s28 =	simm.s32 $_size_execute0_lowered;
	s5 =	sadd.s32 s5, s7;
	[dreg:$0x0] =	wrdreg $0x0  }
0xaa: {  	s7 =	sshll.u32 s28, $0x1;
	[dreg:$0x2] =	wrdreg s5  }
0xab: {  	[dreg:$0x3] =	wrdreg s7  }
0xac: {  	[dreg:$0x4] =	wrdreg $0xC0  }
0xad: {  	_ =	task [dreg:s9], $0x5FFFF  }
0xae: {  	[dreg:$0x1] =	wrdreg $0xFFFFFFFF  }
0xaf: {  	[dreg:$0x0] =	wrdreg $0x60  }
0xb0: {  	[dreg:$0x2] =	wrdreg s2  }
0xb1: {  	[dreg:$0x3] =	wrdreg s18  }
0xb2: {  	[dreg:$0x4] =	wrdreg s4  }
0xb3: {  	[dreg:$0x5] =	wrdreg s24  }
0xb4: {  	[dreg:$0x6] =	wrdreg $0x9  }
0xb5: {  	_ =	task.clear_ibuf [dreg:s9], $0x7FFFF;
	_ =	strace $0x90000046  }
0xb6: {  	s29 =	simm.s32 $0x9;
	_ =	strace $0x80000048  }
0xb7: {  	_ =	swait.ge [sflag:s29], $0x1  }
0xb8: {  	[sflag:s29] =	ssyncadd.s32 $0xFFFFFFFF  }
0xb9: {  	_ =	strace $0x90000048  }
0xba: {  	_ =	sfence  }
0xbb: {  	s30 =	sld [smem:$0x0];
	_ =	sdelay $0x2  }
0xbc: {  	s31 =	sshll.u32 s1, $0xD;
	s1 =	sshrl.u32 s1, $0x2  }
0xbd: {  	s3 =	sand.u32 $0x4000, s31;
	s1 =	sadd.s32 s1, s30  }
0xbe: {  	s0 =	sor.u32 s3, s0;
	s1 =	sshll.u32 s1, $0x11  }
0xbf: {  	s0 =	sor.u32 s1, s0  }
0xc0: {  	s0 =	sadd.s32 $0x8F2B, s0  }
0xc1: {  	[sflag:s0] =	ssyncadd.remote.s32 $0x1  }
0xc2: {  	_ =	sfence.sel $0xFFFF  }
0xc3: {  	[dreg:$0x0] =	wrdreg $0xFFFFFFFF;
	(pc) =	sbr.abs _section_cstart, $3  }
0xc4: {  	[dreg:$0x1] =	wrdreg $0xFFFFFFFF  }
0xc5: {  	_ =	task.clear_ibuf [dreg:s9], $0x2FFFF;
	_ =	strace $0x9FFFFFFF  }
0xc6: {  	(tm) =	ssettm $0x7FFFFFFF  }
0xc7: {  	_ =	shalt  }
tec
execute0_lowered:
.L_overlay_start_1:
0x0: {  	(tag) =	ssettag $0x1  }
0x1: {  	s4 =	rddreg [dreg:$0x0]  }
0x2: {  	s5 =	rddreg [dreg:$0x1]  }
0x3: {  	s6 =	rddreg [dreg:$0x2];
	s1 =	srdreg.scid  }
0x4: {  	s0 =	stileid.u32;
	s7 =	rddreg [dreg:$0x3]  }
0x5: {  	s2 =	simm.s32 $0x0;
	s11 =	simm.s32 $0x80;
	s12 =	simm.s32 $0x6400  }
0x6: {  	s13 =	simm.s32 $0x7080;
	s14 =	simm.s32 $0x2;
	s15 =	simm.s32 $0x1  }
0x7: {  	s16 =	simm.s32 $0x7D00;
	s17 =	simm.s32 $0x8100;
	s18 =	simm.s32 $0x3  }
0x8: {  	s3 =	sand.u32 $0x1, s1;
	s8 =	sshll.u32 s0, $0x1;
	s1 =	rddreg [dreg:$0x4]  }
0x9: {  	s19 =	simm.s32 $0x0;
	[smem:$0x7FF] =	sst s2;
	s8 =	sor.u32 s3, s8  }
0xa: {  	_ =	strace $0x80000047;
	s10 =	ssub.s32 $0x2, s3;
	s9 =	smul.u32 $0xC80, s8  }
.Ltmp0:
0xb: {  	s8 =	sshll.u32 s8, $0x7;
	s30 =	sshrl.u32 s10, $0x1;
	(pc) =	sbr.rel .LBB2_1-.Ltmp0, $4  }
0xc: {  	s8 =	sadd.s32 s8, s7;
	s10 =	ssub.s32 s10, s30;
	s3 =	smin.u32 s9, $0x17A20  }
0xd: {  	v0 =	vimm.f32 $+Inf;
	v1 =	vlaneseq.u32;
	s7 =	sadd.s32 $0x1200, s8;
	s9 =	sshll.u32 s3, $0x4;
	s31 =	sshrl.u32 s3, $0x3  }
0xe: {  	v2 =	vimm.s32 $0x186A0;
	vm0 =	vmmov $0x1;
	v4 =	vimm.f32 $1.000000000e+00;
	s8 =	sadd.s32 $0x2200, s8;
	s4 =	sadd.s32 s4, s9;
	s5 =	sadd.s32 s5, s31  }
0xf: {  	v6 =	vimm.f32 $0.0e+00;
	v3 =	vmul.u32 $0x8, v1;
	v5 =	vor.u32 $0x80000000, v1;
	s6 =	sadd.s32 s6, s31;
	s9 =	smax.u32 s10, $0x1;
	s10 =	simm.s32 $0x8  }
.LBB2_15:
0x10: {  	(xrf0) =	vmin.scan.msk.f32 $0xffff, v7;
	_ =	sdelay $0x5  }
0x11: {  	v9, _, _ =	vpop (xrf0)  }
0x12: {  	v9 =	vbroadcast v9, $0xF;
	_ =	sdelay $0x1  }
0x13: {  	vm1 =	veq.f32 v7, v9;
	v7 =	vxor.u32 $0x80000000, v8  }
0x14: {  	v7 =	vnsel vm1, $0x800186A0, v7  }
0x15: {  	(xrf0) =	vmin.scan.msk.u32 $0xffff, v7;
	_ =	sdelay $0x5  }
0x16: {  	v7, _, _ =	vpop (xrf0)  }
0x17: {  	(v2sf) =	vpush v7, $0xF;
	_ =	sdelay $0x8  }
0x18: {  	vm2 =	vgt.f32 v9, $+Inf;
	vm1 =	vlt.f32 v9, $+Inf  }
0x19: {  	vm1 =	vmor vm2, vm1  }
0x1a: {  	vm1 =	vmand vm1, vm0  }
0x1b: {  	v7 =	vmov s20;
	_ =	sdelay $0x2  }
0x1c: {  	s31 =	spop (v2sf)  }
0x1d: {  	s20 =	sxor.u32 $0x80000000, s31  }
0x1e: {  	[tilespmem:v7+s16+$0x0] =	vst.idx.msk vm1, v9;
	v8 =	vmov s20  }
0x1f: {  	[tilespmem:v7+s17+$0x0] =	vst.idx.msk vm1, v8  }
0x20: {  	[hbm4b:s7+s2] =	stream.linear.scatter [tilespmem:s16], [sflag:$0x3], $0x400, $0x38;
	[tilespmem:$0x8500] =	vst v63  }
0x21: {  	s19 =	sadd.s32 $0x1, s19;
	_ =	swait.ge [sflag:s18], $0x400  }
0x22: {  	p0 =	sne.s32 s19, s9;
	[sflag:s18] =	ssyncset.done $0x0  }
.Ltmp1:
0x23: {  	[sflag:s18] =	ssyncadd.s32 $0xFFFFFC00;
	(pc) =	sbr.rel @!p0 .LBB2_16-.Ltmp1, $4  }
0x24: {  	[hbm4b:s8+s2] =	stream.linear.scatter [tilespmem:s17], [sflag:$0x3], $0x400, $0x38;
	[tilespmem:$0x8500] =	vst v63  }
0x25: {  	_ =	swait.ge [sflag:s18], $0x400  }
0x26: {  	[sflag:s18] =	ssyncset.done $0x0  }
0x27: {  	[sflag:s18] =	ssyncadd.s32 $0xFFFFFC00  }
.LBB2_1:
0x28: {  	[tilespmem:s2], [sflag:$0x1] =	stream.strided.gather [hbm4b:s4+s10], $0x6400, s11, s10, $0x38;
	[tilespmem:$0x8500] =	vst v63  }
0x29: {  	_ = 	snop  }
0x2a: {  	[tilespmem:s12], [sflag:$0x2] =	stream.linear.gather [hbm4b:s5+s2], $0xC80, $0x38;
	[tilespmem:$0x8500] =	vst v63  }
0x2b: {  	s20 =	simm.s32 $0x40;
	s21 =	simm.s32 $0x0  }
0x2c: {  	[tilespmem:s13], [sflag:$0x2] =	stream.linear.gather [hbm4b:s6+s2], $0xC80, $0x38;
	[tilespmem:$0x8500] =	vst v63  }
.LBB2_2:
0x2d: {  	p0 =	sne.s32 s20, $0xFC0;
	[tilespmem:s21+$0x7D00] =	vst v0;
	s22 =	smov.u32 s20;
	s20 =	sadd.s32 $0x40, s20  }
.Ltmp2:
0x2e: {  	[tilespmem:s21+$0x8100] =	vst v2;
	(pc) =	sbr.rel @p0 .LBB2_2-.Ltmp2, $2  }
0x2f: {  	_ =	sdelay $0x2  }
0x30: {  	s21 =	sshra.s32 s22, $0x2  }
0x31: {  	[tilespmem:s21+$0x7D00] =	vst v0  }
0x32: {  	[tilespmem:s21+$0x8100] =	vst v2  }
0x33: {  	_ =	swait.ge [sflag:s14], $0xC80  }
0x34: {  	[sflag:s14] =	ssyncset.done $0x0  }
0x35: {  	[sflag:s14] =	ssyncadd.s32 $0xFFFFF380  }
0x36: {  	_ =	swait.ge [sflag:s14], $0xC80  }
0x37: {  	[sflag:s14] =	ssyncset.done $0x0  }
0x38: {  	[sflag:s14] =	ssyncadd.s32 $0xFFFFF380  }
0x39: {  	v7 =	vld [tilespmem:$0x7080];
	_ =	sdelay $0x4  }
0x3a: {  	(v2sf) =	vpush v7, $0x0;
	_ =	sdelay $0xd  }
.Ltmp3:
0x3b: {  	_ = 	snop;
	(pc) =	sbr.rel .LBB2_4-.Ltmp3, $4  }
0x3c: {  	s20 =	spop (v2sf)  }
0x3d: {  	_ =	swait.ge [sflag:s15], $0x6400  }
0x3e: {  	[sflag:s15] =	ssyncset.done $0x0  }
0x3f: {  	s21 =	simm.s32 $0x0;
	v8 =	vimm.s32 $0x0;
	v7 =	vimm.f32 $+Inf;
	[sflag:s15] =	ssyncadd.s32 $0xFFFF9C00  }
.LBB2_10:
0x40: {  	v7 =	vmin.f32 v7, v10;
	v8 =	vsel vm1, v11, v8  }
.LBB2_14:
0x41: {  	s21 =	sadd.s32 $0x1, s21  }
0x42: {  	p0 =	sne.s32 s21, $0x64  }
.Ltmp4:
0x43: {  	_ = 	snop;
	(pc) =	sbr.rel @!p0 .LBB2_15-.Ltmp4, $1  }
0x44: {  	_ =	sdelay $0x3  }
.LBB2_4:
0x45: {  	s22 =	sshll.u32 s21, $0x5  }
0x46: {  	v9 =	vld [tilespmem:s22+$0x7080];
	_ =	sdelay $0x4  }
0x47: {  	(v2sf) =	vpush v9, $0x0  }
0x48: {  	(v2sf) =	vpush v9, $0xF;
	_ =	sdelay $0x3  }
0x49: {  	v10 =	vmov s22  }
0x4a: {  	v10 =	vshll.u32 v10, $0x3  }
0x4b: {  	v10 =	vor.u32 v3, v10  }
0x4c: {  	v11 =	vor.u32 $0x4, v10  }
0x4d: {  	v12 =	vor.u32 $0x5, v10  }
0x4e: {  	v13 =	vor.u32 $0x6, v10  }
0x4f: {  	v10 =	vor.u32 $0x3, v10;
	_ =	sdelay $0x1  }
0x50: {  	v11 =	vld.idx.msk [tilespmem:v11+s2+$0x0], $0xffff  }
0x51: {  	v12 =	vld.idx.msk [tilespmem:v12+s2+$0x0], $0xffff  }
0x52: {  	v13 =	vld.idx.msk [tilespmem:v13+s2+$0x0], $0xffff;
	s24 =	spop (v2sf)  }
0x53: {  	v10 =	vld.idx.msk [tilespmem:v10+s2+$0x0], $0xffff;
	s23 =	spop (v2sf)  }
0x54: {  	p0 =	sne.s32 s24, s23  }
0x55: {  	v14 =	vld [tilespmem:s22+$0x6400];
	p1 =	sne.s32 @!p0 s24, s20  }
0x56: {  	p0 =	por p0, p1  }
.Ltmp5:
0x57: {  	vm1 =	vge.f32 v11, v12;
	vm2 =	vge.f32 v11, v13;
	(pc) =	sbr.rel @p0 .LBB2_6-.Ltmp5, $4  }
0x58: {  	vm3 =	vgt.f32 v11, v10;
	vm1 =	vmand vm1, vm2  }
0x59: {  	vm1 =	vmand vm1, vm3  }
0x5a: {  	v10 =	vnsel vm1, $0x7F800000, v14;
	s24 =	sadd.s32 s3, s22  }
0x5b: {  	vm1 =	vlt.f32 v10, v7;
	v11 =	vor.u32 s24, v1  }
0x5c: {  	v7 =	vmin.f32 v7, v10;
	v8 =	vsel vm1, v11, v8  }
.LBB2_9:
0x5d: {  	s23 =	sor.u32 $0x10, s22  }
0x5e: {  	v9 =	vld [tilespmem:s23+$0x7080];
	_ =	sdelay $0x4  }
0x5f: {  	(v2sf) =	vpush v9, $0x0  }
0x60: {  	(v2sf) =	vpush v9, $0xF;
	_ =	sdelay $0x3  }
0x61: {  	v10 =	vmov s23  }
0x62: {  	v10 =	vshll.u32 v10, $0x3  }
0x63: {  	v10 =	vor.u32 v3, v10  }
0x64: {  	v11 =	vor.u32 $0x4, v10  }
0x65: {  	v12 =	vor.u32 $0x5, v10  }
0x66: {  	v13 =	vor.u32 $0x6, v10  }
0x67: {  	v10 =	vor.u32 $0x3, v10;
	_ =	sdelay $0x1  }
0x68: {  	v11 =	vld.idx.msk [tilespmem:v11+s2+$0x0], $0xffff  }
0x69: {  	v12 =	vld.idx.msk [tilespmem:v12+s2+$0x0], $0xffff  }
0x6a: {  	v13 =	vld.idx.msk [tilespmem:v13+s2+$0x0], $0xffff;
	s24 =	spop (v2sf)  }
0x6b: {  	v10 =	vld.idx.msk [tilespmem:v10+s2+$0x0], $0xffff;
	s22 =	spop (v2sf)  }
0x6c: {  	p0 =	sne.s32 s24, s22  }
0x6d: {  	v14 =	vld [tilespmem:s23+$0x6400];
	p1 =	sne.s32 @!p0 s24, s20  }
0x6e: {  	p0 =	por p0, p1  }
.Ltmp6:
0x6f: {  	vm1 =	vge.f32 v11, v12;
	vm2 =	vge.f32 v11, v13;
	(pc) =	sbr.rel @!p0 .LBB2_10-.Ltmp6, $4  }
0x70: {  	vm3 =	vgt.f32 v11, v10;
	vm1 =	vmand vm1, vm2  }
0x71: {  	vm1 =	vmand vm1, vm3  }
0x72: {  	s23 =	sadd.s32 s3, s23;
	v10 =	vnsel vm1, $0x7F800000, v14  }
0x73: {  	v11 =	vor.u32 s23, v1;
	vm1 =	vlt.f32 v10, v7  }
0x74: {  	vm2 =	veq.s32 v9, s20  }
0x75: {  	vm1 =	vmand vm2, vm1  }
0x76: {  	v7 =	vsel vm1, v10, v7  }
0x77: {  	(xrf0) =	vmin.scan.msk.f32 $0xffff, v7;
	_ =	sdelay $0x5  }
0x78: {  	v12, _, _ =	vpop (xrf0)  }
0x79: {  	v13 =	vbroadcast v12, $0xF  }
0x7a: {  	v8 =	vsel vm1, v11, v8  }
0x7b: {  	v12 =	vxor.u32 $0x80000000, v8;
	vm1 =	veq.f32 v7, v13  }
0x7c: {  	v12 =	vnsel vm1, $0x800186A0, v12  }
0x7d: {  	(xrf0) =	vmin.scan.msk.u32 $0xffff, v12;
	v12 =	vsel vm2, $0x0, v4  }
0x7e: {  	(xrf0) =	vmax.scan.msk.f32 $0xffff, v12;
	_ =	sdelay $0x4  }
0x7f: {  	v12, _, _ =	vpop (xrf0)  }
0x80: {  	(v2sf) =	vpush v12, $0xF;
	v12, _, _ =	vpop (xrf0)  }
0x81: {  	(v2sf) =	vpush v12, $0xF;
	_ =	sdelay $0xb  }
0x82: {  	vm1 =	vlt.f32 v13, $+Inf;
	vm2 =	vgt.f32 v13, $+Inf  }
0x83: {  	vm1 =	vmor vm2, vm1  }
0x84: {  	vm1 =	vmand vm1, vm0;
	s24 =	spop (v2sf)  }
0x85: {  	v12 =	vmov s20;
	s25 =	spop (v2sf)  }
0x86: {  	p0 =	sgt.f32 s25, $0.0e+00  }
.Ltmp7:
0x87: {  	_ = 	snop;
	(pc) =	sbr.rel @!p0 .LBB2_14-.Ltmp7, $4  }
0x88: {  	_ = 	snop  }
0x89: {  	s24 =	sxor.u32 $0x80000000, s24  }
0x8a: {  	[tilespmem:v12+s16+$0x0] =	vst.idx.msk vm1, v13;
	v13 =	vmov s24  }
0x8b: {  	[tilespmem:v12+s17+$0x0] =	vst.idx.msk vm1, v13  }
0x8c: {  	v13 =	vmov s23  }
0x8d: {  	vm1 =	vne.s32 v9, v12;
	v12 =	vxor.u32 $0x80000000, v9;
	v13 =	vor.u32 v5, v13  }
.LBB2_13:
0x8e: {  	v14 =	vnsel vm1, $0xFFFFFFFF, v12  }
0x8f: {  	(xrf0) =	vmin.scan.msk.u32 $0xffff, v14;
	_ =	sdelay $0x5  }
0x90: {  	v14, _, _ =	vpop (xrf0)  }
0x91: {  	(v2sf) =	vpush v14, $0xF;
	_ =	sdelay $0xe  }
0x92: {  	s23 =	spop (v2sf)  }
0x93: {  	s23 =	sxor.u32 $0x80000000, s23  }
0x94: {  	vm2 =	veq.s32 v9, s23  }
0x95: {  	p0 =	seq.s32 s23, s22;
	v14 =	vnsel vm2, $0x7F800000, v10  }
0x96: {  	(xrf0) =	vmin.scan.msk.f32 @!p0 $0xffff, v14;
	_ =	sdelay $0x5  }
0x97: {  	v15, _, _ =	vpop @!p0 (xrf0)  }
0x98: {  	v15 =	vbroadcast @!p0 v15, $0xF  }
0x99: {  	v16 =	vmov s23  }
0x9a: {  	vm2 =	veq.s32 @!p0 v9, v16;
	vm3 =	veq.f32 @!p0 v14, v15  }
0x9b: {  	vm2 =	vmand @!p0 vm2, vm3;
	vm3 =	vne.s32 v9, v16  }
0x9c: {  	v17 =	vnsel @!p0 vm2, $0x800186A0, v13;
	vm1 =	vmand vm1, vm3  }
0x9d: {  	(xrf0) =	vmin.scan.msk.u32 @!p0 $0xffff, v17;
	v62 =	vsel vm1, $0x3F800000, v6  }
0x9e: {  	(xrf0) =	vmax.scan.msk.f32 $0xffff, v62;
	_ =	sdelay $0x4  }
0x9f: {  	v17, _, _ =	vpop @!p0 (xrf0)  }
0xa0: {  	(v2sf) =	vpush @!p0 v17, $0xF;
	v63, _, _ =	vpop (xrf0)  }
0xa1: {  	(v2sf) =	vpush v63, $0xF;
	_ =	sdelay $0xb  }
0xa2: {  	vm2 =	vlt.f32 @!p0 v15, $+Inf;
	vm3 =	vgt.f32 @!p0 v15, $+Inf  }
0xa3: {  	vm2 =	vmor @!p0 vm3, vm2;
	vm3 =	vmmov @!p0 $0x1  }
0xa4: {  	vm2 =	vmand @!p0 vm2, vm3;
	s24 =	spop @!p0 (v2sf)  }
0xa5: {  	s25 =	spop (v2sf)  }
0xa6: {  	p1 =	sgt.f32 s25, $0.0e+00  }
.Ltmp8:
0xa7: {  	_ = 	snop;
	(pc) =	sbr.rel @p1 .LBB2_13-.Ltmp8, $4  }
0xa8: {  	_ = 	snop  }
0xa9: {  	s24 =	sxor.u32 @!p0 $0x80000000, s24;
	s25 =	simm.s32 @!p0 $0x7D00  }
0xaa: {  	[tilespmem:v16+s25+$0x0] =	vst.idx.msk @!p0 vm2, v15;
	v15 =	vmov @!p0 s24;
	s24 =	simm.s32 @!p0 $0x8100  }
0xab: {  	s20 =	smov.u32 @p0 s23;
	v8 =	vpsel p0, v11, v8;
	v7 =	vpsel p0, v14, v7;
	[tilespmem:v16+s24+$0x0] =	vst.idx.msk @!p0 vm2, v15  }
.Ltmp9:
0xac: {  	_ = 	snop;
	(pc) =	sbr.rel .LBB2_14-.Ltmp9, $1  }
0xad: {  	_ =	sdelay $0x3  }
.LBB2_6:
0xae: {  	vm2 =	veq.s32 v9, s20  }
0xaf: {  	vm1 =	vmand vm2, vm1  }
0xb0: {  	v7 =	vsel vm1, v10, v7  }
0xb1: {  	(xrf0) =	vmin.scan.msk.f32 $0xffff, v7;
	_ =	sdelay $0x5  }
0xb2: {  	v12, _, _ =	vpop (xrf0)  }
0xb3: {  	v13 =	vbroadcast v12, $0xF  }
0xb4: {  	v8 =	vsel vm1, v11, v8  }
0xb5: {  	v12 =	vxor.u32 $0x80000000, v8;
	vm1 =	veq.f32 v7, v13  }
0xb6: {  	v12 =	vnsel vm1, $0x800186A0, v12  }
0xb7: {  	(xrf0) =	vmin.scan.msk.u32 $0xffff, v12;
	v12 =	vsel vm2, $0x0, v4  }
0xb8: {  	(xrf0) =	vmax.scan.msk.f32 $0xffff, v12;
	_ =	sdelay $0x4  }
0xb9: {  	v12, _, _ =	vpop (xrf0)  }
0xba: {  	(v2sf) =	vpush v12, $0xF;
	v12, _, _ =	vpop (xrf0)  }
0xbb: {  	(v2sf) =	vpush v12, $0xF;
	_ =	sdelay $0xb  }
0xbc: {  	vm1 =	vlt.f32 v13, $+Inf;
	vm2 =	vgt.f32 v13, $+Inf  }
0xbd: {  	vm1 =	vmor vm2, vm1  }
0xbe: {  	vm1 =	vmand vm1, vm0;
	s25 =	spop (v2sf)  }
0xbf: {  	v12 =	vmov s20;
	s26 =	spop (v2sf)  }
0xc0: {  	p0 =	sgt.f32 s26, $0.0e+00  }
.Ltmp10:
0xc1: {  	_ = 	snop;
	(pc) =	sbr.rel @!p0 .LBB2_9-.Ltmp10, $4  }
0xc2: {  	_ = 	snop  }
0xc3: {  	s25 =	sxor.u32 $0x80000000, s25  }
0xc4: {  	[tilespmem:v12+s16+$0x0] =	vst.idx.msk vm1, v13;
	v13 =	vmov s25  }
0xc5: {  	[tilespmem:v12+s17+$0x0] =	vst.idx.msk vm1, v13  }
0xc6: {  	v13 =	vmov s24  }
0xc7: {  	vm1 =	vne.s32 v9, v12;
	v12 =	vxor.u32 $0x80000000, v9;
	v13 =	vor.u32 v5, v13  }
.LBB2_8:
0xc8: {  	v14 =	vnsel vm1, $0xFFFFFFFF, v12  }
0xc9: {  	(xrf0) =	vmin.scan.msk.u32 $0xffff, v14;
	_ =	sdelay $0x5  }
0xca: {  	v14, _, _ =	vpop (xrf0)  }
0xcb: {  	(v2sf) =	vpush v14, $0xF;
	_ =	sdelay $0xe  }
0xcc: {  	s24 =	spop (v2sf)  }
0xcd: {  	s24 =	sxor.u32 $0x80000000, s24  }
0xce: {  	vm2 =	veq.s32 v9, s24  }
0xcf: {  	p0 =	seq.s32 s24, s23;
	v14 =	vnsel vm2, $0x7F800000, v10  }
0xd0: {  	(xrf0) =	vmin.scan.msk.f32 @!p0 $0xffff, v14;
	_ =	sdelay $0x5  }
0xd1: {  	v15, _, _ =	vpop @!p0 (xrf0)  }
0xd2: {  	v15 =	vbroadcast @!p0 v15, $0xF  }
0xd3: {  	v16 =	vmov s24  }
0xd4: {  	vm2 =	veq.s32 @!p0 v9, v16;
	vm3 =	veq.f32 @!p0 v14, v15  }
0xd5: {  	vm2 =	vmand @!p0 vm2, vm3;
	vm3 =	vne.s32 v9, v16  }
0xd6: {  	v17 =	vnsel @!p0 vm2, $0x800186A0, v13;
	vm1 =	vmand vm1, vm3  }
0xd7: {  	(xrf0) =	vmin.scan.msk.u32 @!p0 $0xffff, v17;
	v62 =	vsel vm1, $0x3F800000, v6  }
0xd8: {  	(xrf0) =	vmax.scan.msk.f32 $0xffff, v62;
	_ =	sdelay $0x4  }
0xd9: {  	v17, _, _ =	vpop @!p0 (xrf0)  }
0xda: {  	(v2sf) =	vpush @!p0 v17, $0xF;
	v63, _, _ =	vpop (xrf0)  }
0xdb: {  	(v2sf) =	vpush v63, $0xF;
	_ =	sdelay $0xb  }
0xdc: {  	vm2 =	vlt.f32 @!p0 v15, $+Inf;
	vm3 =	vgt.f32 @!p0 v15, $+Inf  }
0xdd: {  	vm2 =	vmor @!p0 vm3, vm2;
	vm3 =	vmmov @!p0 $0x1  }
0xde: {  	vm2 =	vmand @!p0 vm2, vm3;
	s25 =	spop @!p0 (v2sf)  }
0xdf: {  	s26 =	spop (v2sf)  }
0xe0: {  	p1 =	sgt.f32 s26, $0.0e+00  }
.Ltmp11:
0xe1: {  	_ = 	snop;
	(pc) =	sbr.rel @p1 .LBB2_8-.Ltmp11, $4  }
0xe2: {  	_ = 	snop  }
0xe3: {  	s25 =	sxor.u32 @!p0 $0x80000000, s25;
	s26 =	simm.s32 @!p0 $0x7D00  }
0xe4: {  	[tilespmem:v16+s26+$0x0] =	vst.idx.msk @!p0 vm2, v15;
	v15 =	vmov @!p0 s25;
	s25 =	simm.s32 @!p0 $0x8100  }
0xe5: {  	s20 =	smov.u32 @p0 s24;
	v8 =	vpsel p0, v11, v8;
	v7 =	vpsel p0, v14, v7;
	[tilespmem:v16+s25+$0x0] =	vst.idx.msk @!p0 vm2, v15  }
.Ltmp12:
0xe6: {  	_ = 	snop;
	(pc) =	sbr.rel .LBB2_9-.Ltmp12, $1  }
0xe7: {  	_ =	sdelay $0x3  }
.LBB2_16:
0xe8: {  	_ =	sfence.sel $0x180000  }
0xe9: {  	[bflag:$0x0] =	sbarrier.arrive $0xFFFF  }
0xea: {  	p0 =	sne.s32 s0, $0x0;
	_ =	strace $0x90000047  }
0xeb: {  	s0 =	sadd.s32 @!p0 $0x100000, s1;
	[bflag:$0x2] =	sbarrier.arrive $0xFFFF  }
0xec: {  	[sflag:s0] =	ssyncadd.tile.s32 @!p0 $0x1;
	_ =	shalt  }
.Lfunc_end2:
_tile_overlayer_lowered:
.L_overlay_start_2:
0xed: {  	(tag) =	ssettag $0x2  }
0xee: {  	s0 =	rddreg [dreg:$0x0];
	s2 =	stileid.u32  }
0xef: {  	s1 =	rddreg [dreg:$0x1];
	p0 =	sne.s32 s2, $0x0  }
0xf0: {  	s3 =	rddreg [dreg:$0x2];
	[bflag:$0x3] =	sbarrier.arrive $0xFFFF;
	s2 =	simm.s32 @!p0 $0x1C03  }
0xf1: {  	[timem:s3], [sflag:s2] =	dma.local @!p0 [hbm:s0], s1  }
0xf2: {  	s0 =	simm.s32 @!p0 $0x3  }
0xf3: {  	_ =	swait.ge @!p0 [sflag:s0], s1  }
0xf4: {  	s1 =	ssub.s32 @!p0 $0x0, s1;
	[sflag:s0] =	ssyncset.done @!p0 $0x0  }
0xf5: {  	[sflag:s0] =	ssyncadd.s32 @!p0 s1  }
0xf6: {  	[bflag:$0x3] =	sbarrier.arrive $0xFFFF  }
0xf7: {  	_ =	shalt  }

// kernel: kernel.7.cloned.1.call-start
scs
__scs_entry_jumppad:
0x0: {  	(pc) =	sbr.rel $0x88, $3  }
0x1: {  	(tag) =	ssettag $0x0;
	lr =	simm.s32 $0x1  }
0x2: {  	[smem:$0x3F9D] =	sst lr;
	_ =	strace $0xD0000000  }
0x3: {  	_ = 	snop  }
0x4: {  	_ = 	snop  }
0x5: {  	_ = 	snop  }
0x6: {  	_ = 	snop  }
0x7: {  	_ = 	snop  }
__scs_overlays_trampoline_lowered:
0x8: {  	[smem:$0x3FAC] =	sst s0  }
0x9: {  	[smem:$0x3FAD] =	sst s1  }
0xa: {  	[smem:$0x3FAE] =	sst s2  }
0xb: {  	[smem:$0x3FAF] =	sst s3  }
0xc: {  	[smem:$0x3FB0] =	sst s4  }
0xd: {  	[smem:$0x3FB1] =	sst s5  }
0xe: {  	[smem:$0x3FB2] =	sst s6  }
0xf: {  	[smem:$0x3FB3] =	sst s7  }
0x10: {  	[smem:$0x3FB4] =	sst s8  }
0x11: {  	[smem:$0x3FB5] =	sst s9;
	s0 =	simm.s32 @!p0 $0x0  }
0x12: {  	s1 =	sld [smem:$0x3F9B];
	s0 =	simm.s32 @p0 $0x1  }
0x13: {  	[smem:$0x3FB6] =	sst s0;
	s0 =	simm.s32 @!p1 $0x0  }
0x14: {  	s2 =	sld [smem:$0x3F9A];
	s0 =	simm.s32 @p1 $0x1  }
0x15: {  	[smem:$0x3FB7] =	sst s0;
	s0 =	simm.s32 @!p2 $0x0  }
0x16: {  	s3 =	sld [smem:$0x3FDB];
	s0 =	simm.s32 @p2 $0x1  }
0x17: {  	s4 =	simm.s32 $0x1BF5;
	[smem:$0x3FB9] =	sst s0  }
0x18: {  	s0 =	sld [smem:$0x3F9C];
	_ =	swait.ge [sflag:s4], $0x0  }
0x19: {  	s7 =	sld [smem:$0x3F9D]  }
0x1a: {  	s8 =	sadd.s32 $0xFFFFE003, lr  }
0x1b: {  	s9 =	sadd.s32 $0xFFFFFEF7, lr;
	s5 =	simm.s32 $0xFFFFFFFF;
	p2 =	slt.u32 s8, $0xFFFFF086  }
0x1c: {  	p1 =	slt.u32 s9, $0xF7A;
	s5 =	simm.s32 @!p2 $0x0  }
0x1d: {  	s5 =	simm.s32 @p1 $0x1;
	p0 =	seq.s32 s7, s2  }
0x1e: {  	s7 =	smul.u32 @!p0 $0xF7A, s2;
	p2 =	seq.s32 @!p0 s5, $0x0  }
0x1f: {  	s9 =	smul.u32 $0xF7A, s1;
	s8 =	simm.s32 @!p0 $0x1BF5;
	p2 =	por !p2, p0  }
0x20: {  	[sflag:s8] =	ssyncset.s32 @!p0 $0xFFFFF086;
	s6 =	sadd.s32 @!p0 s3, s7;
	s7 =	simm.s32 @!p0 $0x108  }
0x21: {  	s3 =	sadd.s32 s3, s9;
	s6 =	sadd.s32 @!p0 $0x88, s6;
	s7 =	simm.s32 @p2 $0x1082  }
0x22: {  	[simem:s7], [sflag:s8] =	dma.local @!p0 [hbm:s6], $0xF7A  }
0x23: {  	s9 =	sor.u32 $0xD0000000, s2;
	s6 =	simm.s32 $0x108;
	_ =	swait.ge @!p0 [sflag:s8], $0x0  }
0x24: {  	s3 =	sadd.s32 $0x88, s3;
	s6 =	simm.s32 @!p1 $0x1082;
	[sflag:s4] =	ssyncset.s32 $0xFFFFF086  }
0x25: {  	[simem:s6], [sflag:s4] =	dma.local [hbm:s3], $0xF7A  }
0x26: {  	[smem:$0x3F9D] =	sst s1;
	(tag) =	ssettag s2;
	_ =	strace s9  }
0x27: {  	s1 =	sld [smem:$0x3FAD]  }
0x28: {  	s2 =	sld [smem:$0x3FAE]  }
0x29: {  	s4 =	sld [smem:$0x3FB0]  }
0x2a: {  	p0 =	seq.s32 s5, $0x0;
	s5 =	sld [smem:$0x3FB1]  }
0x2b: {  	s6 =	sld [smem:$0x3FB2]  }
0x2c: {  	s7 =	sld [smem:$0x3FB3]  }
0x2d: {  	s3 =	simm.s32 $0x108;
	s8 =	sld [smem:$0x3FB4]  }
0x2e: {  	s3 =	simm.s32 @!p0 $0x1082;
	s9 =	sld [smem:$0x3FB5]  }
0x2f: {  	lr =	sadd.s32 s0, s3;
	s0 =	sld [smem:$0x3FAC]  }
0x30: {  	s3 =	sld [smem:$0x3FAF]  }
0x31: {  	[smem:$0x3FB8] =	sst s10  }
0x32: {  	s10 =	sld [smem:$0x3FB6];
	_ =	sdelay $0x3  }
0x33: {  	p0 =	seq.s32 s10, $0x1;
	s10 =	sld [smem:$0x3FB8];
	_ =	sdelay $0x3  }
0x34: {  	[smem:$0x3FB8] =	sst s10  }
0x35: {  	s10 =	sld [smem:$0x3FB7];
	_ =	sdelay $0x3  }
0x36: {  	p1 =	seq.s32 s10, $0x1;
	s10 =	sld [smem:$0x3FB8];
	_ =	sdelay $0x3  }
0x37: {  	[smem:$0x3FB8] =	sst s10  }
0x38: {  	s10 =	sld [smem:$0x3FB9]  }
0x39: {  	_ = 	snop;
	(pc) =	sbr.ind lr, $3  }
0x3a: {  	_ = 	snop  }
0x3b: {  	_ = 	snop  }
0x3c: {  	p2 =	seq.s32 s10, $0x1;
	s10 =	sld [smem:$0x3FB8]  }
0x3d: {  	_ =	shalt  }
0x3e: {  	_ =	shalt  }
0x3f: {  	_ =	shalt  }
0x40: {  	_ =	shalt  }
0x41: {  	_ =	shalt  }
0x42: {  	_ =	shalt  }
0x43: {  	_ =	shalt  }
0x44: {  	_ =	shalt  }
0x45: {  	_ =	shalt  }
0x46: {  	_ =	shalt  }
0x47: {  	_ =	shalt  }
0x48: {  	_ =	shalt  }
0x49: {  	_ =	shalt  }
0x4a: {  	_ =	shalt  }
0x4b: {  	_ =	shalt  }
0x4c: {  	_ =	shalt  }
0x4d: {  	_ =	shalt  }
0x4e: {  	_ =	shalt  }
0x4f: {  	_ =	shalt  }
0x50: {  	_ =	shalt  }
0x51: {  	_ =	shalt  }
0x52: {  	_ =	shalt  }
0x53: {  	_ =	shalt  }
0x54: {  	_ =	shalt  }
0x55: {  	_ =	shalt  }
0x56: {  	_ =	shalt  }
0x57: {  	_ =	shalt  }
0x58: {  	_ =	shalt  }
0x59: {  	_ =	shalt  }
0x5a: {  	_ =	shalt  }
0x5b: {  	_ =	shalt  }
0x5c: {  	_ =	shalt  }
0x5d: {  	_ =	shalt  }
0x5e: {  	_ =	shalt  }
0x5f: {  	_ =	shalt  }
0x60: {  	_ =	shalt  }
0x61: {  	_ =	shalt  }
0x62: {  	_ =	shalt  }
0x63: {  	_ =	shalt  }
0x64: {  	_ =	shalt  }
0x65: {  	_ =	shalt  }
0x66: {  	_ =	shalt  }
0x67: {  	_ =	shalt  }
0x68: {  	_ =	shalt  }
0x69: {  	_ =	shalt  }
0x6a: {  	_ =	shalt  }
0x6b: {  	_ =	shalt  }
0x6c: {  	_ =	shalt  }
0x6d: {  	_ =	shalt  }
0x6e: {  	_ =	shalt  }
0x6f: {  	_ =	shalt  }
0x70: {  	_ =	shalt  }
0x71: {  	_ =	shalt  }
0x72: {  	_ =	shalt  }
0x73: {  	_ =	shalt  }
0x74: {  	_ =	shalt  }
0x75: {  	_ =	shalt  }
0x76: {  	_ =	shalt  }
0x77: {  	_ =	shalt  }
0x78: {  	_ =	shalt  }
0x79: {  	_ =	shalt  }
0x7a: {  	_ =	shalt  }
0x7b: {  	_ =	shalt  }
0x7c: {  	_ =	shalt  }
0x7d: {  	_ =	shalt  }
0x7e: {  	_ =	shalt  }
0x7f: {  	_ =	shalt  }
0x80: {  	_ =	shalt  }
0x81: {  	_ =	shalt  }
0x82: {  	_ =	shalt  }
0x83: {  	_ =	shalt  }
0x84: {  	_ =	shalt  }
0x85: {  	_ =	shalt  }
0x86: {  	_ =	shalt  }
0x87: {  	_ =	shalt  }
.Lfunc_end0:
.L_simem_size_0:
called_computation.1_lowered:
.L_overlay_start_0:
0x88: {  	s2 =	sld [smem:$0x3FD9]  }
0x89: {  	s3 =	sld [smem:$0x3FFE];
	_ =	sdelay $0x1  }
0x8a: {  	s1 =	srdreg.scid  }
0x8b: {  	s0 =	sand.u32 $0x1, s1  }
0x8c: {  	s14 =	sshll.u32 s0, $0xA;
	s2 =	sadd.s32 s3, s2  }
0x8d: {  	s2 =	sadd.s32 s2, s14  }
0x8e: {  	[smem:$0x3FC4] =	sst s2  }
0x8f: {  	_ = 	snop  }
0x90: {  	s2 =	sld [smem:$0x3FD0];
	_ =	sdelay $0x2  }
0x91: {  	s15 =	simm.s32 $0xA;
	s4 =	simm.s32 $0x10  }
0x92: {  	[smem:s4], [sflag:s15] =	dma.local [hbm:s2], $0x1  }
0x93: {  	_ =	swait.eq [sflag:s15], $0x1  }
0x94: {  	[sflag:s15] =	ssyncset.done $0x0  }
0x95: {  	s16 =	sld [smem:$0x10];
	[sflag:s15] =	ssyncadd.s32 $0xFFFFFFFF  }
0x96: {  	s17 =	sld [smem:$0x11];
	(tm) =	ssettm $0x1  }
0x97: {  	s18 =	sld [smem:$0x3FFB];
	_ =	sdelay $0x3  }
0x98: {  	_ =	strace s18  }
0x99: {  	s4 =	sld [smem:$0x3FFC];
	_ =	sdelay $0x3  }
0x9a: {  	_ =	strace s4  }
0x9b: {  	s4 =	sld [smem:$0x3FFD];
	_ =	sdelay $0x3  }
0x9c: {  	_ =	strace s4  }
0x9d: {  	_ =	strace $0x8FFFFFFF  }
0x9e: {  	s19 =	sld [smem:$0x3FDB];
	_ =	sdelay $0x1  }
0x9f: {  	s5 =	simm.s32 $_scs_section_size  }
0xa0: {  	s6 =	simm.s32 $_size__tile_overlayer_lowered;
	s7 =	simm.s32 $_tile_overlayer_lowered  }
0xa1: {  	s22 =	simm.s32 $0x1BFF;
	s21 =	sshll.u32 s7, $0x1;
	s4 =	sadd.s32 s5, s19  }
0xa2: {  	s8 =	simm.s32 $0x0;
	s20 =	sshll.u32 s6, $0x1;
	s6 =	sadd.s32 s21, s4  }
0xa3: {  	[timem:s8], [sflag:s22] =	dma.local [hbm:s6], s20  }
0xa4: {  	_ =	swait.ge [sflag:s22], s20  }
0xa5: {  	s5 =	ssub.s32 $0x0, s20;
	[sflag:s22] =	ssyncset.done $0x0  }
0xa6: {  	[sflag:s22] =	ssyncadd.s32 s5;
	_ =	sdelay $0x1  }
0xa7: {  	s23 =	simm.s32 $0x1B8B  }
0xa8: {  	_ =	swait.ge [sflag:s23], $0x1  }
0xa9: {  	[sflag:s23] =	ssyncset.done $0x0  }
0xaa: {  	s25 =	simm.s32 $0x1B8E;
	s24 =	sld [smem:$0x3FFE];
	[sflag:s23] =	ssyncadd.s32 $0xFFFFFFFF  }
0xab: {  	s26 =	simm.s32 $execute0_lowered;
	[smem:$0x3FD2] =	sst s25  }
0xac: {  	s6 =	sshll.u32 s26, $0x1;
	_ =	strace $0x80000049;
	[dreg:$0x1] =	wrdreg $0xFFFFFFFF  }
0xad: {  	s28 =	simm.s32 $_size_execute0_lowered;
	s4 =	sadd.s32 s4, s6;
	[dreg:$0x0] =	wrdreg $0x0  }
0xae: {  	s6 =	sshll.u32 s28, $0x1;
	[dreg:$0x2] =	wrdreg s4  }
0xaf: {  	[dreg:$0x3] =	wrdreg s6  }
0xb0: {  	[dreg:$0x4] =	wrdreg $0xC0  }
0xb1: {  	_ =	task [dreg:s8], $0x5FFFF  }
0xb2: {  	[dreg:$0x1] =	wrdreg $0xFFFFFFFF  }
0xb3: {  	[dreg:$0x0] =	wrdreg $0x60  }
0xb4: {  	[dreg:$0x2] =	wrdreg s24  }
0xb5: {  	[dreg:$0x3] =	wrdreg s16  }
0xb6: {  	[dreg:$0x4] =	wrdreg s17  }
0xb7: {  	[dreg:$0x5] =	wrdreg $0x9  }
0xb8: {  	_ =	task.clear_ibuf [dreg:s8], $0x6FFFF;
	_ =	strace $0x90000049  }
0xb9: {  	s29 =	simm.s32 $0x9;
	_ =	strace $0x8000004B  }
0xba: {  	_ =	swait.ge [sflag:s29], $0x1  }
0xbb: {  	[sflag:s29] =	ssyncadd.s32 $0xFFFFFFFF  }
0xbc: {  	_ =	strace $0x9000004B  }
0xbd: {  	_ =	sfence  }
0xbe: {  	s30 =	sld [smem:$0x0];
	_ =	sdelay $0x2  }
0xbf: {  	s31 =	sshll.u32 s1, $0xD;
	s1 =	sshrl.u32 s1, $0x2  }
0xc0: {  	s3 =	sand.u32 $0x4000, s31;
	s1 =	sadd.s32 s1, s30  }
0xc1: {  	s0 =	sor.u32 s3, s0;
	s1 =	sshll.u32 s1, $0x11  }
0xc2: {  	s0 =	sor.u32 s1, s0  }
0xc3: {  	s0 =	sadd.s32 $0x8F2B, s0  }
0xc4: {  	[sflag:s0] =	ssyncadd.remote.s32 $0x1  }
0xc5: {  	_ =	sfence.sel $0xFFFF  }
0xc6: {  	[dreg:$0x0] =	wrdreg $0xFFFFFFFF;
	(pc) =	sbr.abs _section_cstart, $3  }
0xc7: {  	[dreg:$0x1] =	wrdreg $0xFFFFFFFF  }
0xc8: {  	_ =	task.clear_ibuf [dreg:s8], $0x2FFFF;
	_ =	strace $0x9FFFFFFF  }
0xc9: {  	(tm) =	ssettm $0x7FFFFFFF  }
tec
execute0_lowered:
.L_overlay_start_1:
0x0: {  	(tag) =	ssettag $0x1  }
0x1: {  	s1 =	stileid.u32  }
0x2: {  	p0 =	sgt.u32 s1, $0x3  }
.Ltmp0:
0x3: {  	s3 =	rddreg [dreg:$0x0];
	(pc) =	sbr.rel @p0 .LBB2_7-.Ltmp0, $4  }
0x4: {  	s5 =	rddreg [dreg:$0x1]  }
0x5: {  	s6 =	rddreg [dreg:$0x2];
	s2 =	simm.s32 $0x0  }
0x6: {  	[smem:$0x7FF] =	sst s2  }
0x7: {  	s0 =	rddreg [dreg:$0x3];
	_ =	strace $0x8000004A  }
0x8: {  	s4 =	srdreg.scid;
	s7 =	sshll.u32 s1, $0x1;
	s8 =	sadd.s32 $0x1200, s3  }
0x9: {  	s12 =	simm.s32 $0x2;
	s13 =	simm.s32 $0x2000;
	s14 =	simm.s32 $0x2180  }
0xa: {  	s15 =	simm.s32 $0x2080;
	s16 =	simm.s32 $0x2200;
	s17 =	simm.s32 $0x2100  }
0xb: {  	s18 =	simm.s32 $0x1;
	s19 =	simm.s32 $0x2300;
	s4 =	sand.u32 $0x1, s4  }
0xc: {  	s20 =	simm.s32 $0x2480;
	s21 =	simm.s32 $0x0;
	s7 =	sor.u32 s4, s7  }
0xd: {  	v1 =	vimm.s32 $0x52741630;
	s11 =	ssub.s32 $0x2, s4;
	s9 =	sshll.u32 s7, $0x4;
	s7 =	smul.u32 $0x30, s7  }
0xe: {  	v0 =	vlaneseq.u32;
	v2 =	vimm.s32 $0x63052741;
	v3 =	vimm.s32 $0x74163052;
	s31 =	sshrl.u32 s11, $0x1;
	s10 =	sadd.s32 s9, s3;
	s3 =	sadd.s32 $0x3200, s3  }
0xf: {  	v1 =	vunpack.c.l.s4.s8 v1;
	v2 =	vunpack.c.l.s4.s8 v2;
	v3 =	vunpack.c.l.s4.s8 v3;
	s5 =	sadd.s32 s5, s9;
	s4 =	sadd.s32 $0x2200, s10;
	s6 =	sadd.s32 s6, s7  }
0x10: {  	v0 =	vmul.u32 $0x3, v0;
	s10 =	ssub.s32 s11, s31;
	s7 =	sadd.s32 s8, s9;
	s8 =	simm.s32 $0x400  }
0x11: {  	v1 =	vunpack.c.0.s8.s32 v1;
	v2 =	vunpack.c.0.s8.s32 v2;
	v3 =	vunpack.c.0.s8.s32 v3;
	s9 =	simm.s32 $0x1000;
	s11 =	simm.s32 $0x80;
	s10 =	smax.u32 s10, $0x1  }
.LBB2_2:
0x12: {  	s22 =	simm.s32 $0x0  }
0x13: {  	[tilespmem:s22], [sflag:$0x2] =	stream.strided.gather [hbm4b:s7+s11], $0x1000, s8, s11, $0x38;
	[tilespmem:$0x2500] =	vst v63  }
0x14: {  	_ =	swait.ge [sflag:s12], $0x1000  }
0x15: {  	[sflag:s12] =	ssyncset.done $0x0  }
0x16: {  	[sflag:s12] =	ssyncadd.s32 $0xFFFFF000  }
0x17: {  	[tilespmem:s9], [sflag:$0x2] =	stream.strided.gather [hbm4b:s4+s11], $0x1000, s8, s11, $0x38;
	[tilespmem:$0x2500] =	vst v63  }
0x18: {  	_ =	swait.ge [sflag:s12], $0x1000  }
0x19: {  	[sflag:s12] =	ssyncset.done $0x0  }
0x1a: {  	s23 =	simm.s32 $0x0;
	[sflag:s12] =	ssyncadd.s32 $0xFFFFF000  }
0x1b: {  	v4 =	vld [tilespmem:s23+$0x0]  }
0x1c: {  	v5 =	vld [tilespmem:s23+$0x1000];
	_ =	sdelay $0x2  }
0x1d: {  	v6 =	vld [tilespmem:s23+$0x80]  }
0x1e: {  	v7 =	vld [tilespmem:s23+$0x1080];
	vm0 =	vlt.f32 v4, $+Inf  }
0x1f: {  	vm1 =	vgt.f32 v4, $+Inf;
	vm2 =	veq.f32 v4, $+Inf;
	vm3 =	vlt.s32 v5, $0x186A0  }
0x20: {  	vm0 =	vmor vm1, vm0;
	vm1 =	vmand vm2, vm3  }
0x21: {  	v8 =	vld [tilespmem:s23+$0x100];
	vm0 =	vmor vm0, vm1  }
0x22: {  	v9 =	vld [tilespmem:s23+$0x1100];
	v4 =	vnsel vm0, $0x7F800000, v4;
	v5 =	vnsel vm0, $0x186A0, v5  }
0x23: {  	vm0 =	veq.f32 v6, v4;
	vm1 =	vlt.s32 v7, v5  }
0x24: {  	vm2 =	vlt.f32 v6, v4;
	vm0 =	vmand vm0, vm1  }
0x25: {  	v10 =	vld [tilespmem:s23+$0x180];
	vm0 =	vmor vm2, vm0  }
0x26: {  	v4 =	vsel vm0, v6, v4;
	v5 =	vsel vm0, v7, v5;
	v6 =	vld [tilespmem:s23+$0x1180]  }
0x27: {  	vm0 =	veq.f32 v8, v4;
	vm1 =	vlt.s32 v9, v5  }
0x28: {  	vm2 =	vlt.f32 v8, v4;
	vm0 =	vmand vm0, vm1  }
0x29: {  	v7 =	vld [tilespmem:s23+$0x200];
	vm0 =	vmor vm2, vm0  }
0x2a: {  	v4 =	vsel vm0, v8, v4;
	v5 =	vsel vm0, v9, v5;
	v8 =	vld [tilespmem:s23+$0x1200]  }
0x2b: {  	vm0 =	veq.f32 v10, v4;
	vm1 =	vlt.s32 v6, v5  }
0x2c: {  	vm2 =	vlt.f32 v10, v4;
	vm0 =	vmand vm0, vm1  }
0x2d: {  	v9 =	vld [tilespmem:s23+$0x280];
	vm0 =	vmor vm2, vm0  }
0x2e: {  	v4 =	vsel vm0, v10, v4;
	v5 =	vsel vm0, v6, v5;
	v6 =	vld [tilespmem:s23+$0x1280]  }
0x2f: {  	vm0 =	veq.f32 v7, v4;
	vm1 =	vlt.s32 v8, v5  }
0x30: {  	vm2 =	vlt.f32 v7, v4;
	vm0 =	vmand vm0, vm1  }
0x31: {  	v10 =	vld [tilespmem:s23+$0x300];
	vm0 =	vmor vm2, vm0  }
0x32: {  	v4 =	vsel vm0, v7, v4;
	v5 =	vsel vm0, v8, v5;
	v7 =	vld [tilespmem:s23+$0x1300]  }
0x33: {  	vm0 =	veq.f32 v9, v4;
	vm1 =	vlt.s32 v6, v5  }
0x34: {  	vm2 =	vlt.f32 v9, v4;
	vm0 =	vmand vm0, vm1  }
0x35: {  	v8 =	vld [tilespmem:s23+$0x380];
	vm0 =	vmor vm2, vm0  }
0x36: {  	v4 =	vsel vm0, v9, v4;
	v5 =	vsel vm0, v6, v5;
	v6 =	vld [tilespmem:s23+$0x1380]  }
0x37: {  	vm0 =	veq.f32 v10, v4;
	vm1 =	vlt.s32 v7, v5  }
0x38: {  	vm2 =	vlt.f32 v10, v4;
	vm0 =	vmand vm0, vm1  }
0x39: {  	v9 =	vld [tilespmem:s23+$0x400];
	vm0 =	vmor vm2, vm0  }
0x3a: {  	v4 =	vsel vm0, v10, v4;
	v5 =	vsel vm0, v7, v5;
	v7 =	vld [tilespmem:s23+$0x1400]  }
0x3b: {  	vm0 =	veq.f32 v8, v4;
	vm1 =	vlt.s32 v6, v5  }
0x3c: {  	vm2 =	vlt.f32 v8, v4;
	vm0 =	vmand vm0, vm1  }
0x3d: {  	v10 =	vld [tilespmem:s23+$0x480];
	vm0 =	vmor vm2, vm0  }
0x3e: {  	v4 =	vsel vm0, v8, v4;
	v5 =	vsel vm0, v6, v5;
	v6 =	vld [tilespmem:s23+$0x1480]  }
0x3f: {  	vm0 =	veq.f32 v9, v4;
	vm1 =	vlt.s32 v7, v5  }
0x40: {  	vm2 =	vlt.f32 v9, v4;
	vm0 =	vmand vm0, vm1  }
0x41: {  	v8 =	vld [tilespmem:s23+$0x500];
	vm0 =	vmor vm2, vm0  }
0x42: {  	v4 =	vsel vm0, v9, v4;
	v5 =	vsel vm0, v7, v5;
	v7 =	vld [tilespmem:s23+$0x1500]  }
0x43: {  	vm0 =	veq.f32 v10, v4;
	vm1 =	vlt.s32 v6, v5  }
0x44: {  	vm2 =	vlt.f32 v10, v4;
	vm0 =	vmand vm0, vm1  }
0x45: {  	v9 =	vld [tilespmem:s23+$0x580];
	vm0 =	vmor vm2, vm0  }
0x46: {  	v4 =	vsel vm0, v10, v4;
	v5 =	vsel vm0, v6, v5;
	v6 =	vld [tilespmem:s23+$0x1580]  }
0x47: {  	vm0 =	veq.f32 v8, v4;
	vm1 =	vlt.s32 v7, v5  }
0x48: {  	vm2 =	vlt.f32 v8, v4;
	vm0 =	vmand vm0, vm1  }
0x49: {  	v10 =	vld [tilespmem:s23+$0x600];
	vm0 =	vmor vm2, vm0  }
0x4a: {  	v4 =	vsel vm0, v8, v4;
	v5 =	vsel vm0, v7, v5;
	v7 =	vld [tilespmem:s23+$0x1600]  }
0x4b: {  	s22 =	simm.s32 $0x10;
	vm0 =	veq.f32 v9, v4;
	vm1 =	vlt.s32 v6, v5  }
0x4c: {  	v8 =	vld [tilespmem:s22+$0x0];
	vm2 =	vlt.f32 v9, v4;
	vm0 =	vmand vm0, vm1  }
0x4d: {  	v11 =	vld [tilespmem:s23+$0x680];
	vm0 =	vmor vm2, vm0  }
0x4e: {  	v4 =	vsel vm0, v9, v4;
	v5 =	vsel vm0, v6, v5;
	v6 =	vld [tilespmem:s23+$0x1680]  }
0x4f: {  	v9 =	vld [tilespmem:s22+$0x1000];
	vm0 =	veq.f32 v10, v4;
	vm1 =	vlt.s32 v7, v5  }
0x50: {  	vm2 =	vlt.f32 v10, v4;
	vm0 =	vmand vm0, vm1  }
0x51: {  	v12 =	vld [tilespmem:s23+$0x700];
	vm1 =	vlt.f32 v8, $+Inf;
	vm0 =	vmor vm2, vm0  }
0x52: {  	vm2 =	vgt.f32 v8, $+Inf;
	v4 =	vsel vm0, v10, v4;
	v5 =	vsel vm0, v7, v5;
	v7 =	vld [tilespmem:s23+$0x1700]  }
0x53: {  	v13 =	vld [tilespmem:s22+$0x80];
	vm0 =	veq.f32 v8, $+Inf;
	vm3 =	veq.f32 v11, v4;
	vm4 =	vlt.s32 v6, v5  }
0x54: {  	v14 =	vld [tilespmem:s22+$0x1080];
	vm5 =	vlt.s32 v9, $0x186A0;
	vm6 =	vlt.f32 v11, v4;
	vm3 =	vmand vm3, vm4  }
0x55: {  	v10 =	vld [tilespmem:s23+$0x780];
	vm1 =	vmor vm2, vm1;
	vm0 =	vmand vm0, vm5;
	vm2 =	vmor vm6, vm3  }
0x56: {  	vm0 =	vmor vm1, vm0;
	v4 =	vsel vm2, v11, v4;
	v5 =	vsel vm2, v6, v5;
	v6 =	vld [tilespmem:s23+$0x1780]  }
0x57: {  	v8 =	vnsel vm0, $0x7F800000, v8;
	vm1 =	veq.f32 v12, v4;
	vm2 =	vlt.s32 v7, v5  }
0x58: {  	v15 =	vld [tilespmem:s23+$0x1800];
	v9 =	vnsel vm0, $0x186A0, v9;
	vm0 =	vlt.f32 v12, v4;
	vm1 =	vmand vm1, vm2  }
0x59: {  	v16 =	vld [tilespmem:s22+$0x100];
	vm3 =	veq.f32 v13, v8;
	vm2 =	vlt.f32 v13, v8;
	vm0 =	vmor vm0, vm1  }
0x5a: {  	v11 =	vld [tilespmem:s23+$0x800];
	vm1 =	vlt.s32 v14, v9;
	v4 =	vsel vm0, v12, v4;
	v5 =	vsel vm0, v7, v5  }
0x5b: {  	vm0 =	vmand vm3, vm1;
	v7 =	vld [tilespmem:s22+$0x1100];
	vm1 =	veq.f32 v10, v4;
	vm3 =	vlt.s32 v6, v5  }
0x5c: {  	vm0 =	vmor vm2, vm0;
	vm2 =	vlt.f32 v10, v4;
	vm1 =	vmand vm1, vm3  }
0x5d: {  	v17 =	vld [tilespmem:s23+$0x880];
	v8 =	vsel vm0, v13, v8;
	vm1 =	vmor vm2, vm1  }
0x5e: {  	v18 =	vld [tilespmem:s23+$0x1880];
	v9 =	vsel vm0, v14, v9;
	v12 =	vsel vm1, v10, v4;
	v5 =	vsel vm1, v6, v5  }
0x5f: {  	vm0 =	veq.f32 v16, v8;
	v4 =	vld [tilespmem:s23+$0x900];
	vm1 =	veq.f32 v11, v12;
	vm2 =	vlt.s32 v15, v5  }
0x60: {  	v6 =	vld [tilespmem:s22+$0x180];
	vm3 =	vlt.s32 v7, v9;
	vm4 =	vlt.f32 v11, v12;
	vm1 =	vmand vm1, vm2  }
0x61: {  	v10 =	vld [tilespmem:s22+$0x1180];
	vm2 =	vlt.f32 v16, v8;
	vm0 =	vmand vm0, vm3;
	vm1 =	vmor vm4, vm1  }
0x62: {  	vm0 =	vmor vm2, vm0;
	v14 =	vsel vm1, v11, v12;
	v15 =	vsel vm1, v15, v5;
	v11 =	vld [tilespmem:s23+$0x1900]  }
0x63: {  	v12 =	vsel vm0, v16, v8;
	vm1 =	veq.f32 v17, v14;
	vm2 =	vlt.s32 v18, v15  }
0x64: {  	v13 =	vsel vm0, v7, v9;
	v5 =	vld [tilespmem:s23+$0x980];
	vm3 =	vlt.f32 v17, v14;
	vm1 =	vmand vm1, vm2  }
0x65: {  	v8 =	vld [tilespmem:s23+$0x1980];
	vm0 =	vlt.f32 v6, v12;
	vm2 =	veq.f32 v6, v12;
	vm1 =	vmor vm3, vm1  }
0x66: {  	v7 =	vld [tilespmem:s22+$0x200];
	vm3 =	vlt.s32 v10, v13;
	v14 =	vsel vm1, v17, v14;
	v15 =	vsel vm1, v18, v15  }
0x67: {  	s24 =	simm.s32 $0x80;
	v9 =	vld [tilespmem:s22+$0x1200];
	vm1 =	vmand vm2, vm3;
	vm2 =	veq.f32 v4, v14;
	vm3 =	vlt.s32 v11, v15  }
.LBB2_3:
0x68: {  	p0 =	sne.s32 s24, $0x1C0;
	vm0 =	vmor vm0, vm1;
	vm1 =	vlt.f32 v4, v14;
	vm2 =	vmand vm2, vm3  }
0x69: {  	v6 =	vsel vm0, v6, v12;
	vm1 =	vmor vm1, vm2;
	v12 =	vld [tilespmem:s23+$0xA00]  }
0x6a: {  	v10 =	vsel vm0, v10, v13;
	v4 =	vsel vm1, v4, v14;
	v11 =	vsel vm1, v11, v15;
	v13 =	vld [tilespmem:s23+$0x1A00]  }
0x6b: {  	vm0 =	veq.f32 v7, v6;
	vm1 =	veq.f32 v5, v4;
	vm2 =	vlt.s32 v8, v11;
	v14 =	vld [tilespmem:s23+$0xA80]  }
0x6c: {  	vm4 =	vlt.f32 v5, v4;
	vm3 =	vlt.s32 v9, v10;
	v15 =	vld [tilespmem:s22+$0x280];
	vm1 =	vmand vm1, vm2  }
0x6d: {  	vm2 =	vlt.f32 v7, v6;
	vm0 =	vmand vm0, vm3;
	v16 =	vld [tilespmem:s22+$0x1280];
	vm1 =	vmor vm4, vm1  }
0x6e: {  	vm0 =	vmor vm2, vm0;
	v4 =	vsel vm1, v5, v4;
	v5 =	vsel vm1, v8, v11;
	v8 =	vld [tilespmem:s23+$0x1A80]  }
0x6f: {  	v6 =	vsel vm0, v7, v6;
	vm1 =	veq.f32 v12, v4;
	vm2 =	vlt.s32 v13, v5  }
0x70: {  	v7 =	vsel vm0, v9, v10;
	vm0 =	vlt.f32 v12, v4;
	vm1 =	vmand vm1, vm2;
	v9 =	vld [tilespmem:s23+$0xB00]  }
0x71: {  	vm2 =	vlt.f32 v15, v6;
	vm3 =	veq.f32 v15, v6;
	vm0 =	vmor vm0, vm1;
	v10 =	vld [tilespmem:s23+$0x1B00]  }
0x72: {  	vm1 =	vlt.s32 v16, v7;
	v11 =	vld [tilespmem:s22+$0x300];
	v4 =	vsel vm0, v12, v4;
	v5 =	vsel vm0, v13, v5  }
0x73: {  	vm0 =	vmand vm3, vm1;
	v12 =	vld [tilespmem:s22+$0x1300];
	vm1 =	veq.f32 v14, v4;
	vm3 =	vlt.s32 v8, v5  }
0x74: {  	vm0 =	vmor vm2, vm0;
	vm2 =	vlt.f32 v14, v4;
	vm1 =	vmand vm1, vm3  }
0x75: {  	v6 =	vsel vm0, v15, v6;
	vm1 =	vmor vm2, vm1;
	v13 =	vld [tilespmem:s23+$0xB80]  }
0x76: {  	v7 =	vsel vm0, v16, v7;
	v4 =	vsel vm1, v14, v4;
	v5 =	vsel vm1, v8, v5;
	v8 =	vld [tilespmem:s23+$0x1B80]  }
0x77: {  	vm0 =	veq.f32 v11, v6;
	vm1 =	veq.f32 v9, v4;
	vm2 =	vlt.s32 v10, v5;
	v14 =	vld [tilespmem:s23+$0xC00]  }
0x78: {  	vm4 =	vlt.f32 v9, v4;
	vm3 =	vlt.s32 v12, v7;
	v15 =	vld [tilespmem:s22+$0x380];
	vm1 =	vmand vm1, vm2  }
0x79: {  	vm2 =	vlt.f32 v11, v6;
	vm0 =	vmand vm0, vm3;
	v16 =	vld [tilespmem:s22+$0x1380];
	vm1 =	vmor vm4, vm1  }
0x7a: {  	vm0 =	vmor vm2, vm0;
	v9 =	vsel vm1, v9, v4;
	v5 =	vsel vm1, v10, v5;
	v10 =	vld [tilespmem:s23+$0x1C00]  }
0x7b: {  	s25 =	sshra.s32 s24, $0x2;
	v6 =	vsel vm0, v11, v6;
	vm1 =	veq.f32 v13, v9;
	vm2 =	vlt.s32 v8, v5;
	v11 =	vld [tilespmem:s23+$0xC80]  }
0x7c: {  	v7 =	vsel vm0, v12, v7;
	vm0 =	vlt.f32 v13, v9;
	v4 =	vld [tilespmem:s25+$0x0];
	vm1 =	vmand vm1, vm2  }
0x7d: {  	vm2 =	vlt.f32 v15, v6;
	vm3 =	veq.f32 v15, v6;
	vm0 =	vmor vm0, vm1;
	v12 =	vld [tilespmem:s23+$0x1C80]  }
0x7e: {  	vm1 =	vlt.s32 v16, v7;
	v17 =	vld [tilespmem:s22+$0x400];
	v9 =	vsel vm0, v13, v9;
	v5 =	vsel vm0, v8, v5  }
0x7f: {  	vm0 =	vmand vm3, vm1;
	v8 =	vld [tilespmem:s22+$0x1400];
	vm1 =	veq.f32 v14, v9;
	vm3 =	vlt.s32 v10, v5  }
0x80: {  	vm4 =	vlt.f32 v14, v9;
	vm2 =	vmor vm2, vm0;
	vm1 =	vmand vm1, vm3  }
0x81: {  	vm0 =	vlt.f32 v4, $+Inf;
	v6 =	vsel vm2, v15, v6;
	vm1 =	vmor vm4, vm1;
	v13 =	vld [tilespmem:s23+$0xD00]  }
0x82: {  	v7 =	vsel vm2, v16, v7;
	v9 =	vsel vm1, v14, v9;
	v5 =	vsel vm1, v10, v5;
	v10 =	vld [tilespmem:s23+$0x1D00]  }
0x83: {  	vm1 =	veq.f32 v17, v6;
	vm2 =	veq.f32 v11, v9;
	vm3 =	vlt.s32 v12, v5;
	v14 =	vld [tilespmem:s23+$0xD80]  }
0x84: {  	vm5 =	vlt.f32 v11, v9;
	vm4 =	vlt.s32 v8, v7;
	v15 =	vld [tilespmem:s22+$0x480];
	vm2 =	vmand vm2, vm3  }
0x85: {  	vm3 =	vlt.f32 v17, v6;
	vm1 =	vmand vm1, vm4;
	v16 =	vld [tilespmem:s22+$0x1480];
	vm2 =	vmor vm5, vm2  }
0x86: {  	vm1 =	vmor vm3, vm1;
	v9 =	vsel vm2, v11, v9;
	v5 =	vsel vm2, v12, v5;
	v11 =	vld [tilespmem:s23+$0x1D80]  }
0x87: {  	v6 =	vsel vm1, v17, v6;
	vm2 =	veq.f32 v13, v9;
	vm3 =	vlt.s32 v10, v5  }
0x88: {  	v7 =	vsel vm1, v8, v7;
	vm1 =	vlt.f32 v13, v9;
	vm2 =	vmand vm2, vm3;
	v8 =	vld [tilespmem:s23+$0xE00]  }
0x89: {  	vm3 =	vlt.f32 v15, v6;
	vm4 =	veq.f32 v15, v6;
	vm1 =	vmor vm1, vm2;
	v12 =	vld [tilespmem:s23+$0x1E00]  }
0x8a: {  	vm2 =	vlt.s32 v16, v7;
	v17 =	vld [tilespmem:s22+$0x500];
	v9 =	vsel vm1, v13, v9;
	v5 =	vsel vm1, v10, v5  }
0x8b: {  	vm1 =	vmand vm4, vm2;
	v10 =	vld [tilespmem:s22+$0x1500];
	vm2 =	veq.f32 v14, v9;
	vm4 =	vlt.s32 v11, v5  }
0x8c: {  	vm5 =	vlt.f32 v14, v9;
	vm3 =	vmor vm3, vm1;
	vm2 =	vmand vm2, vm4  }
0x8d: {  	vm1 =	vgt.f32 v4, $+Inf;
	v6 =	vsel vm3, v15, v6;
	vm2 =	vmor vm5, vm2;
	v13 =	vld [tilespmem:s23+$0xE80]  }
0x8e: {  	v7 =	vsel vm3, v16, v7;
	v9 =	vsel vm2, v14, v9;
	v5 =	vsel vm2, v11, v5;
	v11 =	vld [tilespmem:s23+$0x1E80]  }
0x8f: {  	vm2 =	veq.f32 v17, v6;
	vm3 =	veq.f32 v8, v9;
	vm4 =	vlt.s32 v12, v5;
	v14 =	vld [tilespmem:s23+$0xF00]  }
0x90: {  	vm6 =	vlt.f32 v8, v9;
	vm5 =	vlt.s32 v10, v7;
	v15 =	vld [tilespmem:s22+$0x580];
	vm3 =	vmand vm3, vm4  }
0x91: {  	vm4 =	vlt.f32 v17, v6;
	vm2 =	vmand vm2, vm5;
	v16 =	vld [tilespmem:s22+$0x1580];
	vm3 =	vmor vm6, vm3  }
0x92: {  	vm2 =	vmor vm4, vm2;
	v8 =	vsel vm3, v8, v9;
	v5 =	vsel vm3, v12, v5;
	v9 =	vld [tilespmem:s23+$0x1F00]  }
0x93: {  	v6 =	vsel vm2, v17, v6;
	vm3 =	veq.f32 v13, v8;
	vm4 =	vlt.s32 v11, v5  }
0x94: {  	v7 =	vsel vm2, v10, v7;
	vm2 =	vlt.f32 v13, v8;
	vm3 =	vmand vm3, vm4;
	v10 =	vld [tilespmem:s23+$0xF80]  }
0x95: {  	vm4 =	vlt.f32 v15, v6;
	vm5 =	veq.f32 v15, v6;
	vm2 =	vmor vm2, vm3;
	v12 =	vld [tilespmem:s23+$0x1F80]  }
0x96: {  	vm3 =	vlt.s32 v16, v7;
	v17 =	vld [tilespmem:s22+$0x600];
	v8 =	vsel vm2, v13, v8;
	v5 =	vsel vm2, v11, v5  }
0x97: {  	vm2 =	vmand vm5, vm3;
	v11 =	vld [tilespmem:s22+$0x1600];
	vm3 =	veq.f32 v14, v8;
	vm5 =	vlt.s32 v9, v5  }
0x98: {  	vm6 =	vlt.f32 v14, v8;
	vm4 =	vmor vm4, vm2;
	vm3 =	vmand vm3, vm5  }
0x99: {  	vm2 =	veq.f32 v4, $+Inf;
	v13 =	vld [tilespmem:s25+$0x1000];
	v6 =	vsel vm4, v15, v6;
	vm3 =	vmor vm6, vm3  }
0x9a: {  	v7 =	vsel vm4, v16, v7;
	v8 =	vsel vm3, v14, v8;
	v5 =	vsel vm3, v9, v5  }
0x9b: {  	vm3 =	veq.f32 v17, v6;
	v9 =	vld [tilespmem:s22+$0x680];
	vm4 =	veq.f32 v10, v8;
	vm5 =	vlt.s32 v12, v5  }
0x9c: {  	vm7 =	vlt.f32 v10, v8;
	vm6 =	vlt.s32 v11, v7;
	v14 =	vld [tilespmem:s22+$0x1680];
	vm4 =	vmand vm4, vm5  }
0x9d: {  	vm5 =	vlt.f32 v17, v6;
	vm3 =	vmand vm3, vm6;
	vm4 =	vmor vm7, vm4  }
0x9e: {  	vm6 =	vlt.s32 v13, $0x186A0;
	vm3 =	vmor vm5, vm3;
	v8 =	vsel vm4, v10, v8  }
0x9f: {  	v6 =	vsel vm3, v17, v6;
	v10 =	vld [tilespmem:s22+$0x700];
	vm5 =	vlt.f32 v8, $+Inf;
	vm7 =	vgt.f32 v8, $+Inf  }
0xa0: {  	v5 =	vsel vm4, v12, v5;
	v7 =	vsel vm3, v11, v7;
	v8 =	vld [tilespmem:s22+$0x1700];
	vm3 =	vmor vm7, vm5  }
0xa1: {  	vm4 =	veq.f32 v9, v6;
	vm5 =	vlt.s32 v14, v7;
	v11 =	vld [tilespmem:s22+$0x780];
	v5 =	vnsel vm3, $0x0, v5  }
0xa2: {  	vm3 =	vlt.f32 v9, v6;
	v12 =	vld [tilespmem:s25+$0x80];
	vm4 =	vmand vm4, vm5;
	[tilespmem:s23+$0x2000] =	vst v5;
	v15 =	vadd.s32 $0x30D40, v5  }
0xa3: {  	vm0 =	vmor vm1, vm0;
	vm1 =	vmand vm2, vm6;
	v16 =	vld [tilespmem:s25+$0x1080];
	vm2 =	vmor vm3, vm4;
	[tilespmem:s23+$0x2100] =	vst v15  }
0xa4: {  	vm0 =	vmor vm0, vm1;
	v6 =	vsel vm2, v9, v6;
	v7 =	vsel vm2, v14, v7;
	v9 =	vld [tilespmem:s22+$0x1780]  }
0xa5: {  	v4 =	vnsel vm0, $0x7F800000, v4;
	vm1 =	veq.f32 v10, v6;
	vm2 =	vlt.s32 v8, v7  }
0xa6: {  	v13 =	vnsel vm0, $0x186A0, v13;
	vm0 =	vlt.f32 v10, v6;
	vm1 =	vmand vm1, vm2;
	v14 =	vld [tilespmem:s22+$0x800]  }
0xa7: {  	vm2 =	vlt.f32 v12, v4;
	vm3 =	veq.f32 v12, v4;
	vm0 =	vmor vm0, vm1;
	v15 =	vld [tilespmem:s22+$0x1800]  }
0xa8: {  	vm1 =	vlt.s32 v16, v13;
	v17 =	vld [tilespmem:s25+$0x100];
	v6 =	vsel vm0, v10, v6;
	v7 =	vsel vm0, v8, v7  }
0xa9: {  	vm0 =	vmand vm3, vm1;
	v8 =	vld [tilespmem:s25+$0x1100];
	vm1 =	veq.f32 v11, v6;
	vm3 =	vlt.s32 v9, v7  }
0xaa: {  	vm0 =	vmor vm2, vm0;
	vm2 =	vlt.f32 v11, v6;
	vm1 =	vmand vm1, vm3  }
0xab: {  	v12 =	vsel vm0, v12, v4;
	vm1 =	vmor vm2, vm1;
	v18 =	vld [tilespmem:s22+$0x880];
	v4 =	vadd.s32 $0x186A0, v5  }
0xac: {  	v5 =	vsel vm0, v16, v13;
	v11 =	vsel vm1, v11, v6;
	v7 =	vsel vm1, v9, v7;
	v9 =	vld [tilespmem:s22+$0x1880];
	[tilespmem:s23+$0x2080] =	vst v4;
	s23 =	smov.u32 s22;
	s22 =	smov.u32 s25  }
0xad: {  	vm0 =	veq.f32 v17, v12;
	vm1 =	veq.f32 v14, v11;
	vm2 =	vlt.s32 v15, v7;
	v4 =	vld [tilespmem:s23+$0x900]  }
0xae: {  	vm4 =	vlt.f32 v14, v11;
	vm3 =	vlt.s32 v8, v5;
	v6 =	vld [tilespmem:s22+$0x180];
	vm1 =	vmand vm1, vm2  }
0xaf: {  	vm2 =	vlt.f32 v17, v12;
	vm0 =	vmand vm0, vm3;
	v10 =	vld [tilespmem:s22+$0x1180];
	vm1 =	vmor vm4, vm1  }
0xb0: {  	vm0 =	vmor vm2, vm0;
	v14 =	vsel vm1, v14, v11;
	v15 =	vsel vm1, v15, v7;
	v11 =	vld [tilespmem:s23+$0x1900]  }
.Ltmp1:
0xb1: {  	v12 =	vsel vm0, v17, v12;
	vm1 =	veq.f32 v18, v14;
	vm2 =	vlt.s32 v9, v15;
	(pc) =	sbr.rel @p0 .LBB2_3-.Ltmp1, $4  }
0xb2: {  	v13 =	vsel vm0, v8, v5;
	vm3 =	vlt.f32 v18, v14;
	vm1 =	vmand vm1, vm2;
	v5 =	vld [tilespmem:s23+$0x980]  }
0xb3: {  	vm0 =	vlt.f32 v6, v12;
	vm2 =	veq.f32 v6, v12;
	vm1 =	vmor vm3, vm1;
	v8 =	vld [tilespmem:s23+$0x1980]  }
0xb4: {  	vm3 =	vlt.s32 v10, v13;
	v7 =	vld [tilespmem:s22+$0x200];
	v14 =	vsel vm1, v18, v14;
	v15 =	vsel vm1, v9, v15  }
0xb5: {  	s24 =	sadd.s32 $0x40, s24;
	vm1 =	vmand vm2, vm3;
	v9 =	vld [tilespmem:s22+$0x1200];
	vm2 =	veq.f32 v4, v14;
	vm3 =	vlt.s32 v11, v15  }
0xb6: {  	vm0 =	vmor vm0, vm1;
	vm10 =	vlt.f32 v4, v14;
	vm2 =	vmand vm2, vm3  }
0xb7: {  	v45 =	vld [tilespmem:s23+$0xA00];
	v6 =	vsel vm0, v6, v12;
	vm1 =	vmor vm10, vm2  }
0xb8: {  	v46 =	vld [tilespmem:s23+$0x1A00];
	v10 =	vsel vm0, v10, v13;
	v4 =	vsel vm1, v4, v14;
	v11 =	vsel vm1, v11, v15  }
0xb9: {  	v47 =	vld [tilespmem:s23+$0xA80];
	vm11 =	veq.f32 v7, v6;
	vm12 =	veq.f32 v5, v4;
	vm13 =	vlt.s32 v8, v11  }
0xba: {  	v48 =	vld [tilespmem:s22+$0x280];
	vm4 =	vlt.f32 v5, v4;
	vm14 =	vlt.s32 v9, v10;
	vm1 =	vmand vm12, vm13  }
0xbb: {  	v16 =	vld [tilespmem:s22+$0x1280];
	vm15 =	vlt.f32 v7, v6;
	vm0 =	vmand vm11, vm14;
	vm1 =	vmor vm4, vm1  }
0xbc: {  	vm0 =	vmor vm15, vm0;
	v4 =	vsel vm1, v5, v4;
	v5 =	vsel vm1, v8, v11;
	v8 =	vld [tilespmem:s23+$0x1A80]  }
0xbd: {  	v6 =	vsel vm0, v7, v6;
	vm5 =	veq.f32 v45, v4;
	vm6 =	vlt.s32 v46, v5  }
0xbe: {  	v49 =	vld [tilespmem:s23+$0xB00];
	v7 =	vsel vm0, v9, v10;
	vm7 =	vlt.f32 v45, v4;
	vm1 =	vmand vm5, vm6  }
0xbf: {  	v50 =	vld [tilespmem:s23+$0x1B00];
	vm8 =	vlt.f32 v48, v6;
	vm9 =	veq.f32 v48, v6;
	vm0 =	vmor vm7, vm1  }
0xc0: {  	v51 =	vld [tilespmem:s22+$0x300];
	vm10 =	vlt.s32 v16, v7;
	v4 =	vsel vm0, v45, v4;
	v5 =	vsel vm0, v46, v5  }
0xc1: {  	v52 =	vld [tilespmem:s22+$0x1300];
	vm11 =	vmand vm9, vm10;
	vm12 =	veq.f32 v47, v4;
	vm13 =	vlt.s32 v8, v5  }
0xc2: {  	vm0 =	vmor vm8, vm11;
	vm14 =	vlt.f32 v47, v4;
	vm1 =	vmand vm12, vm13  }
0xc3: {  	v53 =	vld [tilespmem:s23+$0xB80];
	v6 =	vsel vm0, v48, v6;
	vm1 =	vmor vm14, vm1  }
0xc4: {  	v7 =	vsel vm0, v16, v7;
	v4 =	vsel vm1, v47, v4;
	v5 =	vsel vm1, v8, v5;
	v8 =	vld [tilespmem:s23+$0x1B80]  }
0xc5: {  	v54 =	vld [tilespmem:s23+$0xC00];
	vm15 =	veq.f32 v51, v6;
	vm8 =	veq.f32 v49, v4;
	vm9 =	vlt.s32 v50, v5  }
0xc6: {  	v55 =	vld [tilespmem:s22+$0x380];
	vm10 =	vlt.s32 v52, v7;
	vm11 =	vlt.f32 v49, v4;
	vm1 =	vmand vm8, vm9  }
0xc7: {  	v56 =	vld [tilespmem:s22+$0x1380];
	vm12 =	vlt.f32 v51, v6;
	vm0 =	vmand vm15, vm10;
	vm1 =	vmor vm11, vm1  }
0xc8: {  	v57 =	vld [tilespmem:s23+$0x1C00];
	vm0 =	vmor vm12, vm0;
	v4 =	vsel vm1, v49, v4;
	v5 =	vsel vm1, v50, v5  }
0xc9: {  	v6 =	vsel vm0, v51, v6;
	vm13 =	veq.f32 v53, v4;
	vm14 =	vlt.s32 v8, v5  }
0xca: {  	v58 =	vld [tilespmem:s23+$0xC80];
	v7 =	vsel vm0, v52, v7;
	vm15 =	vlt.f32 v53, v4;
	vm1 =	vmand vm13, vm14  }
0xcb: {  	v59 =	vld [tilespmem:s23+$0x1C80];
	vm6 =	vlt.f32 v55, v6;
	vm7 =	veq.f32 v55, v6;
	vm0 =	vmor vm15, vm1  }
0xcc: {  	v60 =	vld [tilespmem:s22+$0x400];
	vm8 =	vlt.s32 v56, v7;
	v4 =	vsel vm0, v53, v4;
	v5 =	vsel vm0, v8, v5  }
0xcd: {  	vm9 =	vmand vm7, vm8;
	v8 =	vld [tilespmem:s22+$0x1400];
	vm10 =	veq.f32 v54, v4;
	vm11 =	vlt.s32 v57, v5  }
0xce: {  	vm0 =	vmor vm6, vm9;
	vm12 =	vlt.f32 v54, v4;
	vm1 =	vmand vm10, vm11  }
0xcf: {  	v61 =	vld [tilespmem:s23+$0xD00];
	v6 =	vsel vm0, v55, v6;
	vm1 =	vmor vm12, vm1  }
0xd0: {  	v62 =	vld [tilespmem:s23+$0x1D00];
	v7 =	vsel vm0, v56, v7;
	v4 =	vsel vm1, v54, v4;
	v5 =	vsel vm1, v57, v5  }
0xd1: {  	v63 =	vld [tilespmem:s23+$0xD80];
	vm13 =	veq.f32 v60, v6;
	vm14 =	veq.f32 v58, v4;
	vm15 =	vlt.s32 v59, v5  }
0xd2: {  	v20 =	vld [tilespmem:s22+$0x480];
	vm8 =	vlt.s32 v8, v7;
	vm9 =	vlt.f32 v58, v4;
	vm1 =	vmand vm14, vm15  }
0xd3: {  	v21 =	vld [tilespmem:s22+$0x1480];
	vm10 =	vlt.f32 v60, v6;
	vm0 =	vmand vm13, vm8;
	vm1 =	vmor vm9, vm1  }
0xd4: {  	v22 =	vld [tilespmem:s23+$0x1D80];
	vm0 =	vmor vm10, vm0;
	v4 =	vsel vm1, v58, v4;
	v5 =	vsel vm1, v59, v5  }
0xd5: {  	v6 =	vsel vm0, v60, v6;
	vm11 =	veq.f32 v61, v4;
	vm12 =	vlt.s32 v62, v5  }
0xd6: {  	v23 =	vld [tilespmem:s23+$0x1E00];
	v7 =	vsel vm0, v8, v7;
	vm13 =	vlt.f32 v61, v4;
	vm1 =	vmand vm11, vm12  }
0xd7: {  	v24 =	vld [tilespmem:s22+$0x500];
	vm14 =	vlt.f32 v20, v6;
	vm15 =	veq.f32 v20, v6;
	vm0 =	vmor vm13, vm1  }
0xd8: {  	v8 =	vld [tilespmem:s23+$0xE00];
	vm5 =	vlt.s32 v21, v7;
	v4 =	vsel vm0, v61, v4;
	v5 =	vsel vm0, v62, v5  }
0xd9: {  	v25 =	vld [tilespmem:s22+$0x1500];
	vm6 =	vmand vm15, vm5;
	vm7 =	veq.f32 v63, v4;
	vm8 =	vlt.s32 v22, v5  }
0xda: {  	vm0 =	vmor vm14, vm6;
	vm9 =	vlt.f32 v63, v4;
	vm1 =	vmand vm7, vm8  }
0xdb: {  	v26 =	vld [tilespmem:s23+$0xE80];
	v6 =	vsel vm0, v20, v6;
	vm1 =	vmor vm9, vm1  }
0xdc: {  	v27 =	vld [tilespmem:s23+$0x1E80];
	v7 =	vsel vm0, v21, v7;
	v4 =	vsel vm1, v63, v4;
	v5 =	vsel vm1, v22, v5  }
0xdd: {  	v28 =	vld [tilespmem:s23+$0xF00];
	vm10 =	veq.f32 v24, v6;
	vm11 =	veq.f32 v8, v4;
	vm12 =	vlt.s32 v23, v5  }
0xde: {  	v29 =	vld [tilespmem:s22+$0x580];
	vm13 =	vlt.s32 v25, v7;
	vm14 =	vlt.f32 v8, v4;
	vm1 =	vmand vm11, vm12  }
0xdf: {  	v30 =	vld [tilespmem:s22+$0x1580];
	vm15 =	vlt.f32 v24, v6;
	vm0 =	vmand vm10, vm13;
	vm1 =	vmor vm14, vm1  }
0xe0: {  	vm0 =	vmor vm15, vm0;
	v4 =	vsel vm1, v8, v4;
	v5 =	vsel vm1, v23, v5;
	v8 =	vld [tilespmem:s23+$0x1F00]  }
0xe1: {  	v6 =	vsel vm0, v24, v6;
	vm4 =	veq.f32 v26, v4;
	vm5 =	vlt.s32 v27, v5  }
0xe2: {  	v31 =	vld [tilespmem:s23+$0xF80];
	v7 =	vsel vm0, v25, v7;
	vm6 =	vlt.f32 v26, v4;
	vm1 =	vmand vm4, vm5  }
0xe3: {  	v32 =	vld [tilespmem:s23+$0x1F80];
	vm7 =	vlt.f32 v29, v6;
	vm8 =	veq.f32 v29, v6;
	vm0 =	vmor vm6, vm1  }
0xe4: {  	v33 =	vld [tilespmem:s22+$0x600];
	vm9 =	vlt.s32 v30, v7;
	v4 =	vsel vm0, v26, v4;
	v5 =	vsel vm0, v27, v5  }
0xe5: {  	v34 =	vld [tilespmem:s22+$0x1600];
	vm10 =	vmand vm8, vm9;
	vm11 =	veq.f32 v28, v4;
	vm12 =	vlt.s32 v8, v5  }
0xe6: {  	vm0 =	vmor vm7, vm10;
	vm13 =	vlt.f32 v28, v4;
	vm1 =	vmand vm11, vm12  }
0xe7: {  	v6 =	vsel vm0, v29, v6;
	vm1 =	vmor vm13, vm1  }
0xe8: {  	v7 =	vsel vm0, v30, v7;
	v4 =	vsel vm1, v28, v4;
	v5 =	vsel vm1, v8, v5  }
0xe9: {  	v35 =	vld [tilespmem:s22+$0x1680];
	vm14 =	veq.f32 v33, v6;
	vm15 =	veq.f32 v31, v4;
	vm8 =	vlt.s32 v32, v5  }
0xea: {  	vm9 =	vlt.s32 v34, v7;
	v8 =	vld [tilespmem:s22+$0x680];
	vm10 =	vlt.f32 v31, v4;
	vm1 =	vmand vm15, vm8  }
0xeb: {  	vm11 =	vlt.f32 v33, v6;
	vm0 =	vmand vm14, vm9;
	vm1 =	vmor vm10, vm1  }
0xec: {  	vm0 =	vmor vm11, vm0;
	v4 =	vsel vm1, v31, v4  }
0xed: {  	v36 =	vld [tilespmem:s22+$0x700];
	v6 =	vsel vm0, v33, v6;
	vm12 =	vlt.f32 v4, $+Inf;
	vm13 =	vgt.f32 v4, $+Inf  }
0xee: {  	v5 =	vsel vm1, v32, v5;
	v4 =	vsel vm0, v34, v7;
	v7 =	vld [tilespmem:s22+$0x1700];
	vm14 =	vmor vm13, vm12  }
0xef: {  	vm15 =	veq.f32 v8, v6;
	vm4 =	vlt.s32 v35, v4;
	v5 =	vnsel vm14, $0x0, v5  }
0xf0: {  	v37 =	vld [tilespmem:s22+$0x780];
	vm5 =	vlt.f32 v8, v6;
	vm1 =	vmand vm15, vm4;
	[tilespmem:s23+$0x2000] =	vst v5;
	v38 =	vadd.s32 $0x30D40, v5  }
0xf1: {  	vm0 =	vmor vm5, vm1;
	[tilespmem:s23+$0x2100] =	vst v38  }
0xf2: {  	v6 =	vsel vm0, v8, v6;
	v4 =	vsel vm0, v35, v4;
	v8 =	vld [tilespmem:s22+$0x1780]  }
0xf3: {  	vm6 =	veq.f32 v36, v6;
	vm7 =	vlt.s32 v7, v4  }
0xf4: {  	vm8 =	vlt.f32 v36, v6;
	vm0 =	vmand vm6, vm7  }
0xf5: {  	v11 =	vld [tilespmem:s22+$0x800];
	vm0 =	vmor vm8, vm0  }
0xf6: {  	v39 =	vld [tilespmem:s22+$0x1800];
	v6 =	vsel vm0, v36, v6;
	v4 =	vsel vm0, v7, v4  }
0xf7: {  	vm9 =	veq.f32 v37, v6;
	vm10 =	vlt.s32 v8, v4  }
0xf8: {  	vm11 =	vlt.f32 v37, v6;
	vm0 =	vmand vm9, vm10  }
0xf9: {  	v7 =	vld [tilespmem:s22+$0x880];
	vm0 =	vmor vm11, vm0  }
0xfa: {  	v6 =	vsel vm0, v37, v6;
	v4 =	vsel vm0, v8, v4;
	v8 =	vld [tilespmem:s22+$0x1880]  }
0xfb: {  	v5 =	vadd.s32 $0x186A0, v5;
	vm12 =	veq.f32 v11, v6;
	vm13 =	vlt.s32 v39, v4  }
0xfc: {  	[tilespmem:s23+$0x2080] =	vst v5;
	vm14 =	vlt.f32 v11, v6;
	vm0 =	vmand vm12, vm13  }
0xfd: {  	v5 =	vld [tilespmem:s22+$0x900];
	vm0 =	vmor vm14, vm0  }
0xfe: {  	v40 =	vld [tilespmem:s22+$0x1900];
	v6 =	vsel vm0, v11, v6;
	v4 =	vsel vm0, v39, v4  }
0xff: {  	vm15 =	veq.f32 v7, v6;
	vm4 =	vlt.s32 v8, v4  }
0x100: {  	vm5 =	vlt.f32 v7, v6;
	vm0 =	vmand vm15, vm4  }
0x101: {  	v41 =	vld [tilespmem:s22+$0x980];
	vm0 =	vmor vm5, vm0  }
0x102: {  	v42 =	vld [tilespmem:s22+$0x1980];
	v6 =	vsel vm0, v7, v6;
	v4 =	vsel vm0, v8, v4  }
0x103: {  	vm6 =	veq.f32 v5, v6;
	vm7 =	vlt.s32 v40, v4  }
0x104: {  	vm8 =	vlt.f32 v5, v6;
	vm0 =	vmand vm6, vm7  }
0x105: {  	v7 =	vld [tilespmem:s22+$0xA00];
	vm0 =	vmor vm8, vm0  }
0x106: {  	v5 =	vsel vm0, v5, v6;
	v4 =	vsel vm0, v40, v4;
	v6 =	vld [tilespmem:s22+$0x1A00]  }
0x107: {  	vm9 =	veq.f32 v41, v5;
	vm10 =	vlt.s32 v42, v4  }
0x108: {  	vm11 =	vlt.f32 v41, v5;
	vm0 =	vmand vm9, vm10  }
0x109: {  	v43 =	vld [tilespmem:s22+$0x1A80];
	vm0 =	vmor vm11, vm0  }
0x10a: {  	v8 =	vld [tilespmem:s22+$0xA80];
	v5 =	vsel vm0, v41, v5;
	v4 =	vsel vm0, v42, v4  }
0x10b: {  	vm12 =	veq.f32 v7, v5;
	vm13 =	vlt.s32 v6, v4  }
0x10c: {  	vm14 =	vlt.f32 v7, v5;
	vm0 =	vmand vm12, vm13  }
0x10d: {  	v44 =	vld [tilespmem:s22+$0xB00];
	vm0 =	vmor vm14, vm0  }
0x10e: {  	v45 =	vld [tilespmem:s22+$0x1B00];
	v5 =	vsel vm0, v7, v5;
	v4 =	vsel vm0, v6, v4  }
0x10f: {  	vm15 =	veq.f32 v8, v5;
	vm4 =	vlt.s32 v43, v4  }
0x110: {  	vm5 =	vlt.f32 v8, v5;
	vm0 =	vmand vm15, vm4  }
0x111: {  	v6 =	vld [tilespmem:s22+$0xB80];
	vm0 =	vmor vm5, vm0  }
0x112: {  	v7 =	vld [tilespmem:s22+$0x1B80];
	v5 =	vsel vm0, v8, v5;
	v4 =	vsel vm0, v43, v4  }
0x113: {  	vm6 =	veq.f32 v44, v5;
	vm7 =	vlt.s32 v45, v4  }
0x114: {  	vm8 =	vlt.f32 v44, v5;
	vm0 =	vmand vm6, vm7  }
0x115: {  	v46 =	vld [tilespmem:s22+$0x1C00];
	vm0 =	vmor vm8, vm0  }
0x116: {  	v8 =	vld [tilespmem:s22+$0xC00];
	v5 =	vsel vm0, v44, v5;
	v4 =	vsel vm0, v45, v4  }
0x117: {  	vm9 =	veq.f32 v6, v5;
	vm10 =	vlt.s32 v7, v4  }
0x118: {  	vm11 =	vlt.f32 v6, v5;
	vm0 =	vmand vm9, vm10  }
0x119: {  	v47 =	vld [tilespmem:s22+$0xC80];
	vm0 =	vmor vm11, vm0  }
0x11a: {  	v48 =	vld [tilespmem:s22+$0x1C80];
	v5 =	vsel vm0, v6, v5;
	v4 =	vsel vm0, v7, v4  }
0x11b: {  	vm12 =	veq.f32 v8, v5;
	vm13 =	vlt.s32 v46, v4  }
0x11c: {  	vm14 =	vlt.f32 v8, v5;
	vm0 =	vmand vm12, vm13  }
0x11d: {  	v6 =	vld [tilespmem:s22+$0xD00];
	vm0 =	vmor vm14, vm0  }
0x11e: {  	v7 =	vld [tilespmem:s22+$0x1D00];
	v5 =	vsel vm0, v8, v5;
	v4 =	vsel vm0, v46, v4  }
0x11f: {  	vm15 =	veq.f32 v47, v5;
	vm4 =	vlt.s32 v48, v4  }
0x120: {  	vm5 =	vlt.f32 v47, v5;
	vm0 =	vmand vm15, vm4  }
0x121: {  	v49 =	vld [tilespmem:s22+$0x1D80];
	vm0 =	vmor vm5, vm0  }
0x122: {  	v8 =	vld [tilespmem:s22+$0xD80];
	v5 =	vsel vm0, v47, v5;
	v4 =	vsel vm0, v48, v4  }
0x123: {  	vm6 =	veq.f32 v6, v5;
	vm7 =	vlt.s32 v7, v4  }
0x124: {  	vm8 =	vlt.f32 v6, v5;
	vm0 =	vmand vm6, vm7  }
0x125: {  	v50 =	vld [tilespmem:s22+$0xE00];
	vm0 =	vmor vm8, vm0  }
0x126: {  	v51 =	vld [tilespmem:s22+$0x1E00];
	v5 =	vsel vm0, v6, v5;
	v4 =	vsel vm0, v7, v4  }
0x127: {  	vm9 =	veq.f32 v8, v5;
	vm10 =	vlt.s32 v49, v4  }
0x128: {  	vm11 =	vlt.f32 v8, v5;
	vm0 =	vmand vm9, vm10  }
0x129: {  	v6 =	vld [tilespmem:s22+$0xE80];
	vm0 =	vmor vm11, vm0  }
0x12a: {  	v7 =	vld [tilespmem:s22+$0x1E80];
	v5 =	vsel vm0, v8, v5;
	v4 =	vsel vm0, v49, v4  }
0x12b: {  	vm12 =	veq.f32 v50, v5;
	vm13 =	vlt.s32 v51, v4  }
0x12c: {  	vm14 =	vlt.f32 v50, v5;
	vm0 =	vmand vm12, vm13  }
0x12d: {  	v52 =	vld [tilespmem:s22+$0x1F00];
	vm0 =	vmor vm14, vm0  }
0x12e: {  	v8 =	vld [tilespmem:s22+$0xF00];
	v5 =	vsel vm0, v50, v5;
	v4 =	vsel vm0, v51, v4  }
0x12f: {  	vm15 =	veq.f32 v6, v5;
	vm4 =	vlt.s32 v7, v4  }
0x130: {  	vm5 =	vlt.f32 v6, v5;
	vm0 =	vmand vm15, vm4  }
0x131: {  	v53 =	vld [tilespmem:s22+$0xF80];
	vm0 =	vmor vm5, vm0  }
0x132: {  	v54 =	vld [tilespmem:s22+$0x1F80];
	v5 =	vsel vm0, v6, v5;
	v4 =	vsel vm0, v7, v4  }
0x133: {  	vm6 =	veq.f32 v8, v5;
	vm7 =	vlt.s32 v52, v4  }
0x134: {  	vm8 =	vlt.f32 v8, v5;
	vm0 =	vmand vm6, vm7  }
0x135: {  	vm0 =	vmor vm8, vm0  }
0x136: {  	v5 =	vsel vm0, v8, v5;
	v4 =	vsel vm0, v52, v4  }
0x137: {  	vm9 =	veq.f32 v53, v5;
	vm10 =	vlt.s32 v54, v4  }
0x138: {  	vm11 =	vlt.f32 v53, v5;
	vm0 =	vmand vm9, vm10  }
0x139: {  	vm0 =	vmor vm11, vm0  }
0x13a: {  	v5 =	vsel vm0, v53, v5  }
0x13b: {  	vm12 =	vlt.f32 v5, $+Inf;
	vm13 =	vgt.f32 v5, $+Inf  }
0x13c: {  	v4 =	vsel vm0, v54, v4;
	vm14 =	vmor vm13, vm12  }
0x13d: {  	v4 =	vnsel vm14, $0x0, v4  }
0x13e: {  	[tilespmem:s22+$0x2000] =	vst v4;
	v5 =	vadd.s32 $0x30D40, v4  }
0x13f: {  	v4 =	vadd.s32 $0x186A0, v4;
	[tilespmem:s22+$0x2100] =	vst v5  }
0x140: {  	[tilespmem:s22+$0x2080] =	vst v4  }
0x141: {  	[tilespmem:s14], [sflag:$0x1] =	stream.indirect.gather [hbm4b:s3+s11], $0x1, s13, s11, $0xb8;
	[tilespmem:$0x2500] =	vst v63  }
0x142: {  	_ = 	snop  }
0x143: {  	[tilespmem:s16], [sflag:$0x1] =	stream.indirect.gather [hbm4b:s3+s11], $0x1, s15, s11, $0xb8;
	[tilespmem:$0x2500] =	vst v63  }
0x144: {  	s22 =	simm.s32 $0x2280  }
0x145: {  	[tilespmem:s22], [sflag:$0x1] =	stream.indirect.gather [hbm4b:s3+s11], $0x1, s17, s11, $0xb8;
	[tilespmem:$0x2500] =	vst v63  }
0x146: {  	_ =	swait.ge [sflag:s18], $0x80  }
0x147: {  	[sflag:s18] =	ssyncset.done $0x0  }
0x148: {  	[sflag:s18] =	ssyncadd.s32 $0xFFFFFF80  }
0x149: {  	_ =	swait.ge [sflag:s18], $0x80  }
0x14a: {  	[sflag:s18] =	ssyncset.done $0x0  }
0x14b: {  	[sflag:s18] =	ssyncadd.s32 $0xFFFFFF80  }
0x14c: {  	_ =	swait.ge [sflag:s18], $0x80  }
0x14d: {  	[sflag:s18] =	ssyncset.done $0x0  }
0x14e: {  	[sflag:s18] =	ssyncadd.s32 $0xFFFFFF80  }
0x14f: {  	v7 =	vld [tilespmem:s22+$0xFFFFFF00]  }
0x150: {  	v8 =	vld [tilespmem:s22+$0xFFFFFF80];
	_ =	sdelay $0x1  }
0x151: {  	v4 =	vld [tilespmem:s22+$0x0];
	_ =	sdelay $0x2  }
0x152: {  	v5 =	vmul.f32 v7, v7;
	v6 =	vmul.f32 v8, v8;
	_ =	sdelay $0x1  }
0x153: {  	v5 =	vadd.f32 v6, v5;
	v6 =	vmul.f32 v4, v4;
	_ =	sdelay $0x1  }
0x154: {  	v6 =	vadd.f32 v6, v5;
	_ =	sdelay $0x1  }
0x155: {  	v5 =	vshra.s32 v6, $0x1  }
0x156: {  	v5 =	vadd.s32 $0x1FBD1DF5, v5  }
0x157: {  	(erf) = vrcp.f32 v5;
	_ =	sdelay $0x8  }
0x158: {  	v55 =	vpop (erf)  }
0x159: {  	v9 =	vmul.f32 v55, v6;
	_ =	sdelay $0x1  }
0x15a: {  	v5 =	vadd.f32 v5, v9;
	_ =	sdelay $0x1  }
0x15b: {  	v5 =	vmul.f32 $5.000000000e-01, v5;
	_ =	sdelay $0x1  }
0x15c: {  	(erf) = vrcp.f32 v5;
	_ =	sdelay $0x8  }
0x15d: {  	v56 =	vpop (erf)  }
0x15e: {  	v9 =	vmul.f32 v56, v6;
	_ =	sdelay $0x1  }
0x15f: {  	v5 =	vadd.f32 v9, v5;
	_ =	sdelay $0x1  }
0x160: {  	v9 =	vmul.f32 $5.000000000e-01, v5;
	_ =	sdelay $0x1  }
0x161: {  	(erf) = vrcp.f32 v9;
	_ =	sdelay $0x2  }
0x162: {  	s31 =	simm.s32 $0x0  }
0x163: {  	v5 =	vmov s31  }
0x164: {  	v5 =	vmul.u32 $0x3, v5;
	_ =	sdelay $0x3  }
0x165: {  	v57 =	vbroadcast v5, $0x0;
	v5 =	vpop (erf)  }
0x166: {  	v58 =	vmul.f32 v5, v6  }
0x167: {  	v59 =	vadd.s32 v0, v57  }
0x168: {  	v61 =	vand.u32 $0xFFFFFFF8, v59;
	v9 =	vadd.f32 v58, v9  }
0x169: {  	v11 =	vor.u32 v1, v61  }
0x16a: {  	v5 =	vadd.s32 $0x1, v0;
	v9 =	vmul.f32 $5.000000000e-01, v9  }
0x16b: {  	vm15 =	vgt.f32 v6, $0.0e+00;
	v6 =	vadd.s32 $0x2, v0;
	v60 =	vadd.s32 v5, v57  }
0x16c: {  	s23 =	simm.s32 $0x2480;
	v10 =	vadd.s32 v6, v57;
	v62 =	vand.u32 $0xFFFFFFF8, v60;
	v9 =	vnsel vm15, $0x0, v9  }
0x16d: {  	v63 =	vand.u32 $0xFFFFFFF8, v10;
	v12 =	vor.u32 v2, v62;
	[tilespmem:s23+$0x0] =	vst v9  }
0x16e: {  	[tilespmem:v11+s19+$0x0] =	vst.idx.msk $0xffff, v7;
	v7 =	vor.u32 v3, v63;
	_ =	sdelay $0x3  }
0x16f: {  	s24 =	simm.s32 $0x10;
	[tilespmem:v12+s19+$0x0] =	vst.idx.msk $0xffff, v8  }
.LBB2_5:
0x170: {  	p0 =	sne.s32 s24, $0x70;
	[tilespmem:v7+s19+$0x0] =	vst.idx.msk $0xffff, v4;
	s22 =	sadd.s32 $0x10, s22;
	s23 =	sadd.s32 $0x10, s23  }
0x171: {  	s25 =	smov.u32 s24;
	s24 =	sadd.s32 $0x10, s24;
	v8 =	vld [tilespmem:s22+$0xFFFFFF00]  }
0x172: {  	v9 =	vld [tilespmem:s22+$0xFFFFFF80];
	_ =	sdelay $0x1  }
0x173: {  	v4 =	vld [tilespmem:s22+$0x0];
	_ =	sdelay $0x2  }
0x174: {  	v7 =	vmul.f32 v8, v8;
	v10 =	vmul.f32 v9, v9;
	_ =	sdelay $0x1  }
0x175: {  	v7 =	vadd.f32 v10, v7;
	v10 =	vmul.f32 v4, v4;
	_ =	sdelay $0x1  }
0x176: {  	v7 =	vadd.f32 v10, v7;
	_ =	sdelay $0x1  }
0x177: {  	v10 =	vshra.s32 v7, $0x1  }
0x178: {  	v10 =	vadd.s32 $0x1FBD1DF5, v10  }
0x179: {  	(erf) = vrcp.f32 v10;
	_ =	sdelay $0x8  }
0x17a: {  	v11 =	vpop (erf)  }
0x17b: {  	v11 =	vmul.f32 v11, v7;
	_ =	sdelay $0x1  }
0x17c: {  	v10 =	vadd.f32 v10, v11;
	_ =	sdelay $0x1  }
0x17d: {  	v10 =	vmul.f32 $5.000000000e-01, v10;
	_ =	sdelay $0x1  }
0x17e: {  	(erf) = vrcp.f32 v10;
	_ =	sdelay $0x8  }
0x17f: {  	v11 =	vpop (erf)  }
0x180: {  	v11 =	vmul.f32 v11, v7;
	_ =	sdelay $0x1  }
0x181: {  	v10 =	vadd.f32 v11, v10;
	_ =	sdelay $0x1  }
0x182: {  	v10 =	vmul.f32 $5.000000000e-01, v10;
	_ =	sdelay $0x1  }
0x183: {  	(erf) = vrcp.f32 v10;
	_ =	sdelay $0x5  }
0x184: {  	v11 =	vmov s25  }
0x185: {  	v11 =	vmul.u32 $0x3, v11;
	_ =	sdelay $0x1  }
0x186: {  	v11 =	vbroadcast v11, $0x0;
	v12 =	vpop (erf)  }
0x187: {  	v12 =	vmul.f32 v12, v7  }
0x188: {  	v13 =	vadd.s32 v0, v11;
	v14 =	vadd.s32 v5, v11;
	v11 =	vadd.s32 v6, v11  }
0x189: {  	v10 =	vadd.f32 v12, v10;
	v12 =	vand.u32 $0xFFFFFFF8, v13;
	v13 =	vand.u32 $0xFFFFFFF8, v14  }
0x18a: {  	v11 =	vand.u32 $0xFFFFFFF8, v11;
	v12 =	vor.u32 v1, v12  }
0x18b: {  	v13 =	vor.u32 v2, v13;
	v10 =	vmul.f32 $5.000000000e-01, v10  }
.Ltmp2:
0x18c: {  	vm0 =	vgt.f32 v7, $0.0e+00;
	v7 =	vor.u32 v3, v11;
	(pc) =	sbr.rel @p0 .LBB2_5-.Ltmp2, $4  }
0x18d: {  	v10 =	vnsel vm0, $0x0, v10  }
0x18e: {  	[tilespmem:s23+$0x0] =	vst v10  }
0x18f: {  	[tilespmem:v12+s19+$0x0] =	vst.idx.msk $0xffff, v8  }
0x190: {  	[tilespmem:v13+s19+$0x0] =	vst.idx.msk $0xffff, v9  }
0x191: {  	_ =	sdelay $0x3  }
0x192: {  	[tilespmem:v7+s19+$0x0] =	vst.idx.msk $0xffff, v4  }
0x193: {  	[hbm4b:s5+s2] =	stream.linear.scatter [tilespmem:s20], [sflag:$0x2], $0x80, $0x38;
	[tilespmem:$0x2500] =	vst v63  }
0x194: {  	s21 =	sadd.s32 $0x1, s21;
	_ =	swait.ge [sflag:s12], $0x80  }
0x195: {  	p0 =	sne.s32 s21, s10;
	[sflag:s12] =	ssyncset.done $0x0  }
.Ltmp3:
0x196: {  	[sflag:s12] =	ssyncadd.s32 $0xFFFFFF80;
	(pc) =	sbr.rel @p0 .LBB2_2-.Ltmp3, $4  }
0x197: {  	[hbm4b:s6+s2] =	stream.linear.scatter [tilespmem:s19], [sflag:$0x2], $0x180, $0x38;
	[tilespmem:$0x2500] =	vst v63  }
0x198: {  	_ =	swait.ge [sflag:s12], $0x180  }
0x199: {  	[sflag:s12] =	ssyncset.done $0x0  }
0x19a: {  	[sflag:s12] =	ssyncadd.s32 $0xFFFFFE80  }
.LBB2_7:
0x19b: {  	_ =	sfence.sel $0x180000  }
0x19c: {  	[bflag:$0x0] =	sbarrier.arrive $0xFFFF  }
0x19d: {  	p0 =	sne.s32 s1, $0x0;
	_ =	strace $0x9000004A  }
0x19e: {  	s0 =	sadd.s32 @!p0 $0x100000, s0;
	[bflag:$0x2] =	sbarrier.arrive $0xFFFF  }
0x19f: {  	[sflag:s0] =	ssyncadd.tile.s32 @!p0 $0x1;
	_ =	shalt  }
.Lfunc_end2:
_tile_overlayer_lowered:
.L_overlay_start_2:
0x1a0: {  	(tag) =	ssettag $0x2  }
0x1a1: {  	s0 =	rddreg [dreg:$0x0];
	s2 =	stileid.u32  }
0x1a2: {  	s1 =	rddreg [dreg:$0x1];
	p0 =	sne.s32 s2, $0x0  }
0x1a3: {  	s3 =	rddreg [dreg:$0x2];
	[bflag:$0x3] =	sbarrier.arrive $0xFFFF;
	s2 =	simm.s32 @!p0 $0x1C02  }
0x1a4: {  	[timem:s3], [sflag:s2] =	dma.local @!p0 [hbm:s0], s1  }
0x1a5: {  	s0 =	simm.s32 @!p0 $0x2  }
0x1a6: {  	_ =	swait.ge @!p0 [sflag:s0], s1  }
0x1a7: {  	s1 =	ssub.s32 @!p0 $0x0, s1;
	[sflag:s0] =	ssyncset.done @!p0 $0x0  }
0x1a8: {  	[sflag:s0] =	ssyncadd.s32 @!p0 s1  }
0x1a9: {  	[bflag:$0x3] =	sbarrier.arrive $0xFFFF  }
0x1aa: {  	_ =	shalt  }

</sc_bundles>
